<compile_context>
chip_gen: v7x
topology: tpu7x:2x2x1
jax: 0.10.2.dev20260603
libtpu: 0.0.44.dev20260713+nightly
codegen_flags: <defaults>
</compile_context>

<pallas_src>
import dataclasses
import functools

import jax
import jax.numpy as jnp
from jax import lax
from jax.experimental import pallas as pl
from jax.experimental.pallas import tpu as pltpu
from jax.experimental.pallas import tpu_sc as plsc

NC = 2
NS = 16
NW = NC * NS
LANES = 16


def _sc_mesh():
    return plsc.VectorSubcoreMesh(core_axis_name="c", subcore_axis_name="s")


def _sc_compiler_params():
    cp = pltpu.CompilerParams()
    if "needs_layout_passes" in pltpu.CompilerParams.__dataclass_fields__:
        cp = dataclasses.replace(cp, needs_layout_passes=False)
    return cp


def _sc_hist(dst, n_nodes):
    (e,) = dst.shape
    assert e % (NW * LANES) == 0
    epw = e // NW

    @functools.partial(
        pl.kernel,
        out_type=jax.ShapeDtypeStruct((NW, 1, n_nodes), jnp.float32),
        mesh=_sc_mesh(),
        compiler_params=_sc_compiler_params(),
        scratch_types=[
            pltpu.VMEM((epw,), jnp.int32),
            pltpu.VMEM((1, n_nodes), jnp.float32),
        ],
    )
    def k(dst_hbm, out_hbm, idx_v, hist_v):
        cid = lax.axis_index("c")
        sid = lax.axis_index("s")
        wid = cid * NS + sid
        pltpu.sync_copy(dst_hbm.at[pl.ds(wid * epw, epw)], idx_v)

        @pl.loop(0, n_nodes // LANES)
        def _(i):
            hist_v[0, pl.ds(i * LANES, LANES)] = jnp.zeros((LANES,), jnp.float32)

        ones = jnp.ones((LANES,), jnp.float32)
        iz = jnp.zeros((LANES,), jnp.int32)

        @pl.loop(0, epw // LANES)
        def _(i):
            idx = idx_v[pl.ds(i * LANES, LANES)]
            plsc.addupdate_scatter(hist_v, [iz, idx], ones)

        pltpu.sync_copy(hist_v, out_hbm.at[wid])

    return k(dst)


def _tc_dis(hist):
    nw, n = hist.shape

    def body(h_ref, o_ref):
        deg = jnp.sum(h_ref[...], axis=0) + 1.0
        o_ref[...] = lax.rsqrt(deg)[:, None]

    return pl.pallas_call(
        body,
        out_shape=jax.ShapeDtypeStruct((n, 1), jnp.float32),
    )(hist)


def _tc_prescale(x, w, dis, block_rows):
    n, d_in = x.shape
    d_out = w.shape[1]

    def body(x_ref, w_ref, dis_ref, y_ref):
        xw = jnp.dot(x_ref[...], w_ref[...], preferred_element_type=jnp.float32)
        y_ref[...] = xw * dis_ref[...]

    return pl.pallas_call(
        body,
        grid=(n // block_rows,),
        in_specs=[
            pl.BlockSpec((block_rows, d_in), lambda i: (i, 0)),
            pl.BlockSpec((d_in, d_out), lambda i: (0, 0)),
            pl.BlockSpec((block_rows, 1), lambda i: (i, 0)),
        ],
        out_specs=pl.BlockSpec((block_rows, d_out), lambda i: (i, 0)),
        out_shape=jax.ShapeDtypeStruct((n, d_out), jnp.float32),
    )(x, w, dis)


def _sc_edge(src, dst, y):
    (e,) = src.shape
    n, d = y.shape
    ch = 128
    assert e % ch == 0
    n_chunks = e // ch
    n_loops = (n_chunks + NW - 1) // NW
    rpt = (n // NS) // 8 * 8
    tail = n - rpt * NS
    zr = rpt // 3
    assert zr % 8 == 0 and zr * 3 == rpt and tail % 8 == 0 and tail <= zr

    @functools.partial(
        pl.kernel,
        out_type=jax.ShapeDtypeStruct((NC, n, d), jnp.float32),
        mesh=_sc_mesh(),
        compiler_params=_sc_compiler_params(),
        scratch_types=[
            pltpu.VMEM((ch,), jnp.int32),
            pltpu.VMEM((ch,), jnp.int32),
            pltpu.VMEM((ch, d), jnp.float32),
            pltpu.VMEM((zr, d), jnp.float32),
            pltpu.VMEM_SHARED((n, d), jnp.float32),
            pltpu.SemaphoreType.DMA,
        ],
    )
    def k(src_hbm, dst_hbm, y_hbm, out_hbm, si_v, di_v, rows_v, zero_v, acc_sh, sem):
        cid = lax.axis_index("c")
        sid = lax.axis_index("s")
        wid = cid * NS + sid

        @pl.loop(0, zr)
        def _(r):
            @pl.loop(0, d // LANES)
            def _(j):
                zero_v[r, pl.ds(j * LANES, LANES)] = jnp.zeros((LANES,), jnp.float32)

        @pl.loop(0, 3)
        def _(t):
            r0 = sid * rpt + t * zr
            pltpu.sync_copy(zero_v, acc_sh.at[pl.ds(r0, zr)])

        if tail:
            @pl.when(sid == NS - 1)
            def _():
                pltpu.sync_copy(
                    zero_v.at[pl.ds(0, tail)], acc_sh.at[pl.ds(NS * rpt, tail)]
                )

        plsc.subcore_barrier()

        @pl.loop(0, n_loops)
        def _(c):
            chunk = c * NW + wid

            @pl.when(chunk < n_chunks)
            def _():
                base = chunk * ch
                pltpu.sync_copy(src_hbm.at[pl.ds(base, ch)], si_v)
                pltpu.sync_copy(dst_hbm.at[pl.ds(base, ch)], di_v)
                pltpu.async_copy(y_hbm.at[si_v], rows_v, sem).wait()
                pltpu.sync_copy(rows_v, acc_sh.at[di_v], add=True)

        plsc.subcore_barrier()

        r0 = sid * rpt
        pltpu.sync_copy(
            acc_sh.at[pl.ds(r0, rpt)],
            out_hbm.at[cid].at[pl.ds(r0, rpt)],
        )
        if tail:
            @pl.when(sid == NS - 1)
            def _():
                pltpu.sync_copy(
                    acc_sh.at[pl.ds(NS * rpt, tail)],
                    out_hbm.at[cid].at[pl.ds(NS * rpt, tail)],
                )

    return k(src, dst, y)


def _tc_epilogue(partials, y, dis, b, block_rows):
    n, d = y.shape

    def body(p_ref, y_ref, dis_ref, b_ref, o_ref):
        acc = p_ref[0] + p_ref[1] + y_ref[...]
        o_ref[...] = jnp.maximum(acc * dis_ref[...] + b_ref[...], 0.0)

    return pl.pallas_call(
        body,
        grid=(n // block_rows,),
        in_specs=[
            pl.BlockSpec((NC, block_rows, d), lambda i: (0, i, 0)),
            pl.BlockSpec((block_rows, d), lambda i: (i, 0)),
            pl.BlockSpec((block_rows, 1), lambda i: (i, 0)),
            pl.BlockSpec((1, d), lambda i: (0, 0)),
        ],
        out_specs=pl.BlockSpec((block_rows, d), lambda i: (i, 0)),
        out_shape=jax.ShapeDtypeStruct((n, d), jnp.float32),
    )(partials, y, dis, b.reshape(1, d))


@jax.jit
def kernel(x, edge_index, W, b):
    n = x.shape[0]
    src = edge_index[0]
    dst = edge_index[1]
    hist = _sc_hist(dst, n).reshape(NW, n)
    dis = _tc_dis(hist)
    y = _tc_prescale(x, W, dis, block_rows=1000)
    partials = _sc_edge(src, dst, y)
    return _tc_epilogue(partials, y, dis, b, block_rows=1000)

# --- scband reference (transcript-rebuilt; emitter-appended) ---
"""Pipeline reference for scband-relation-specific-gnn-64871186038925 (READ-ONLY COPY).

The authoritative reference and input builder live on the scoring server;
editing this copy changes nothing except your own understanding.
"""

import jax, jax.numpy as jnp
import numpy as np

N = 10000
E = 320000
D_IN = 128
D_OUT = 128


def setup_inputs(seed: int = 0) -> dict:
    key = jax.random.key(seed)
    k1, k2, k3 = jax.random.split(key, 3)
    x = jax.random.normal(k1, (N, D_IN), dtype=jnp.float32)
    edge_index = jax.random.randint(k2, (2, E), 0, N, dtype=jnp.int32)
    # GCNConv learned params (glorot-style init for weight, zeros for bias)
    W = jax.random.normal(k3, (D_IN, D_OUT), dtype=jnp.float32) * (1.0 / np.sqrt(D_IN))
    b = jnp.zeros((D_OUT,), dtype=jnp.float32)
    return {"x": x, "edge_index": edge_index, "W": W, "b": b}


def reference(x, edge_index, W, b):
    # PyG GCNConv: x' = D^{-1/2} (A + I) D^{-1/2} X W + b, followed by ReLU.
    # Dropout is identity in eval/reference mode.
    src = edge_index[0]
    dst = edge_index[1]
    loop = jnp.arange(N, dtype=edge_index.dtype)
    src_f = jnp.concatenate([src, loop])
    dst_f = jnp.concatenate([dst, loop])
    # degree with self-loops (computed on destination as in PyG)
    deg = jnp.zeros((N,), dtype=jnp.float32).at[dst_f].add(1.0)
    deg_inv_sqrt = jnp.where(deg > 0, jax.lax.rsqrt(jnp.maximum(deg, 1e-12)), 0.0)
    norm = deg_inv_sqrt[src_f] * deg_inv_sqrt[dst_f]
    xw = x @ W
    msg = xw[src_f] * norm[:, None]
    out = jnp.zeros((N, D_OUT), dtype=jnp.float32).at[dst_f].add(msg)
    out = out + b
    return jax.nn.relu(out)

if __name__ == "__main__":
    import jax
    _d = setup_inputs()
    print(jax.jit(kernel)(*tuple(_d.values())))

</pallas_src>

<mosaic_0001>
#map = affine_map<(d0, d1) -> (0)>
#map1 = affine_map<(d0, d1) -> (0, 0)>
#map2 = affine_map<(d0, d1) -> (0, 0, 0)>
module attributes {stable_mosaic.version = 14 : i64} {
  func.func @k(%arg0: i32, %arg1: i32, %arg2: memref<320000xi32, #tpu.memory_space<hbm>>, %arg3: memref<320000xi32, #tpu.memory_space<hbm>>, %arg4: memref<10000x128xf32, #tpu.memory_space<hbm>>, %arg5: memref<2x10000x128xf32, #tpu.memory_space<hbm>>, %arg6: memref<128xi32, #tpu.memory_space<vmem>>, %arg7: memref<128xi32, #tpu.memory_space<vmem>>, %arg8: memref<128x128xf32, #tpu.memory_space<vmem>>, %arg9: memref<208x128xf32, #tpu.memory_space<vmem>>, %arg10: memref<10000x128xf32, #tpu.memory_space<vmem_shared>>, %arg11: memref<!tpu.dma_semaphore, #tpu.memory_space<semaphore_mem>>) attributes {dimension_semantics = [#tpu.dimension_semantics<core_parallel>, #tpu.dimension_semantics<subcore_parallel>], iteration_bounds = array<i64: 2, 16>, scalar_prefetch = 0 : i64, scratch_operands = 6 : i64, tpu.core_type = #tpu.core_type<sc_vector_subcore>, window_params = [{transform_indices = #map}, {transform_indices = #map}, {transform_indices = #map1}, {transform_indices = #map2}]} {
    %mul3A = arith.constant 16 : i32
    %mul3A_0 = arith.muli %arg0, %mul3A : i32
    %add3A = arith.addi %mul3A_0, %arg1 : i32
    %scan3A = arith.constant 0 : i32
    %scan3A_1 = arith.constant 208 : i32
    %scan3A_2 = arith.addi %scan3A, %scan3A_1 : i32
    %scan3A_3 = arith.constant 1 : i32
    scf.for %scan3A_25 = %scan3A to %scan3A_2 step %scan3A_3  : i32 {
      %mul3A_26 = arith.constant 1 : i32
      %mul3A_27 = arith.muli %scan3A_25, %mul3A_26 : i32
      %add3A_28 = arith.constant 0 : i32
      %add3A_29 = arith.addi %add3A_28, %mul3A_27 : i32
      %scan3A_30 = arith.constant 0 : i32
      %scan3A_31 = arith.constant 8 : i32
      %scan3A_32 = arith.addi %scan3A_30, %scan3A_31 : i32
      %scan3A_33 = arith.constant 1 : i32
      scf.for %scan3A_35 = %scan3A_30 to %scan3A_32 step %scan3A_33  : i32 {
        %mul3A_36 = arith.constant 1 : i32
        %mul3A_37 = arith.muli %scan3A_35, %mul3A_36 : i32
        %add3A_38 = arith.constant 0 : i32
        %add3A_39 = arith.addi %add3A_38, %mul3A_37 : i32
        %broadcast_in_dim3A = arith.constant 0.000000e+00 : f32
        %broadcast_in_dim3A_40 = vector.broadcast %broadcast_in_dim3A : f32 to vector<16xf32>
        %mul3A_41 = arith.constant 16 : i32
        %mul3A_42 = arith.muli %add3A_39, %mul3A_41 : i32
        %swap3A = arith.index_cast %add3A_29 : i32 to index
        %swap3A_43 = arith.index_cast %mul3A_42 : i32 to index
        %swap3A_44 = tpu.vector_load %arg9[%swap3A, %swap3A_43] {strides = array<i32>} : memref<208x128xf32, #tpu.memory_space<vmem>>, vector<16xf32>,
        tpu.vector_store %arg9[%swap3A, %swap3A_43], %broadcast_in_dim3A_40 {strides = array<i32>} : memref<208x128xf32, #tpu.memory_space<vmem>>, vector<16xf32>,
      }
      %scan3A_34 = arith.constant 8 : i32
    }
    %scan3A_4 = arith.constant 208 : i32
    %scan3A_5 = arith.constant 0 : i32
    %scan3A_6 = arith.constant 3 : i32
    %scan3A_7 = arith.addi %scan3A_5, %scan3A_6 : i32
    %scan3A_8 = arith.constant 1 : i32
    scf.for %scan3A_25 = %scan3A_5 to %scan3A_7 step %scan3A_8  : i32 {
      %mul3A_26 = arith.constant 1 : i32
      %mul3A_27 = arith.muli %scan3A_25, %mul3A_26 : i32
      %add3A_28 = arith.constant 0 : i32
      %add3A_29 = arith.addi %add3A_28, %mul3A_27 : i32
      %mul3A_30 = arith.constant 624 : i32
      %mul3A_31 = arith.muli %arg1, %mul3A_30 : i32
      %mul3A_32 = arith.constant 208 : i32
      %mul3A_33 = arith.muli %add3A_29, %mul3A_32 : i32
      %add3A_34 = arith.addi %mul3A_31, %mul3A_33 : i32
      "tpu.region"() ({
        %run_scoped3A = tpu.sem_alloc : memref<!tpu.dma_semaphore, #tpu.memory_space<semaphore_mem>>
        %dma_start3A = arith.constant 0 : i32
        %dma_start3A_35 = tpu.memref_slice %arg10[%add3A_34, %dma_start3A] : memref<10000x128xf32, #tpu.memory_space<vmem_shared>> -> memref<208x128xf32, #tpu.memory_space<vmem_shared>>
        %dma_start3A_36 = arith.constant 0 : i32
        %dma_start3A_37 = tpu.memref_slice %arg10[%add3A_34, %dma_start3A_36] : memref<10000x128xf32, #tpu.memory_space<vmem_shared>> -> memref<208x128xf32, #tpu.memory_space<vmem_shared>>
        tpu.enqueue_dma source(%arg9 : memref<208x128xf32, #tpu.memory_space<vmem>>) target(%dma_start3A_37 : memref<208x128xf32, #tpu.memory_space<vmem_shared>>) target_semaphore(%run_scoped3A : memref<!tpu.dma_semaphore, #tpu.memory_space<semaphore_mem>>)
        %dma_wait3A = arith.constant 0 : i32
        %dma_wait3A_38 = tpu.memref_slice %arg10[%add3A_34, %dma_wait3A] : memref<10000x128xf32, #tpu.memory_space<vmem_shared>> -> memref<208x128xf32, #tpu.memory_space<vmem_shared>>
        %dma_wait3A_39 = arith.constant 0 : i32
        %dma_wait3A_40 = tpu.memref_slice %arg10[%add3A_34, %dma_wait3A_39] : memref<10000x128xf32, #tpu.memory_space<vmem_shared>> -> memref<208x128xf32, #tpu.memory_space<vmem_shared>>
        tpu.wait_dma2 semaphore(%run_scoped3A : memref<!tpu.dma_semaphore, #tpu.memory_space<semaphore_mem>>) src(%arg9 : memref<208x128xf32, #tpu.memory_space<vmem>>) dst(%dma_wait3A_40 : memref<208x128xf32, #tpu.memory_space<vmem_shared>>)
        tpu.yield
      }) : () -> ()
    }
    %scan3A_9 = arith.constant 3 : i32
    %eq3A = arith.constant 15 : i32
    %eq3A_10 = arith.cmpi eq, %arg1, %eq3A : i32
    %convert_element_type3A = arith.extui %eq3A_10 : i1 to i32
    %cond3A = arith.constant 0 : i32
    %cond3A_11 = arith.cmpi ne, %convert_element_type3A, %cond3A : i32
    scf.if %cond3A_11 {
      "tpu.region"() ({
        %run_scoped3A = tpu.sem_alloc : memref<!tpu.dma_semaphore, #tpu.memory_space<semaphore_mem>>
        %dma_start3A = arith.constant 0 : i32
        %dma_start3A_25 = arith.constant 0 : i32
        %dma_start3A_26 = tpu.memref_slice %arg9[%dma_start3A, %dma_start3A_25] : memref<208x128xf32, #tpu.memory_space<vmem>> -> memref<16x128xf32, #tpu.memory_space<vmem>>
        %dma_start3A_27 = arith.constant 9984 : i32
        %dma_start3A_28 = arith.constant 0 : i32
        %dma_start3A_29 = tpu.memref_slice %arg10[%dma_start3A_27, %dma_start3A_28] : memref<10000x128xf32, #tpu.memory_space<vmem_shared>> -> memref<16x128xf32, #tpu.memory_space<vmem_shared>>
        %dma_start3A_30 = arith.constant 9984 : i32
        %dma_start3A_31 = arith.constant 0 : i32
        %dma_start3A_32 = tpu.memref_slice %arg10[%dma_start3A_30, %dma_start3A_31] : memref<10000x128xf32, #tpu.memory_space<vmem_shared>> -> memref<16x128xf32, #tpu.memory_space<vmem_shared>>
        %dma_start3A_33 = arith.constant 0 : i32
        %dma_start3A_34 = arith.constant 0 : i32
        %dma_start3A_35 = tpu.memref_slice %arg9[%dma_start3A_33, %dma_start3A_34] : memref<208x128xf32, #tpu.memory_space<vmem>> -> memref<16x128xf32, #tpu.memory_space<vmem>>
        tpu.enqueue_dma source(%dma_start3A_35 : memref<16x128xf32, #tpu.memory_space<vmem>>) target(%dma_start3A_32 : memref<16x128xf32, #tpu.memory_space<vmem_shared>>) target_semaphore(%run_scoped3A : memref<!tpu.dma_semaphore, #tpu.memory_space<semaphore_mem>>)
        %dma_wait3A = arith.constant 0 : i32
        %dma_wait3A_36 = arith.constant 0 : i32
        %dma_wait3A_37 = tpu.memref_slice %arg9[%dma_wait3A, %dma_wait3A_36] : memref<208x128xf32, #tpu.memory_space<vmem>> -> memref<16x128xf32, #tpu.memory_space<vmem>>
        %dma_wait3A_38 = arith.constant 9984 : i32
        %dma_wait3A_39 = arith.constant 0 : i32
        %dma_wait3A_40 = tpu.memref_slice %arg10[%dma_wait3A_38, %dma_wait3A_39] : memref<10000x128xf32, #tpu.memory_space<vmem_shared>> -> memref<16x128xf32, #tpu.memory_space<vmem_shared>>
        %dma_wait3A_41 = arith.constant 9984 : i32
        %dma_wait3A_42 = arith.constant 0 : i32
        %dma_wait3A_43 = tpu.memref_slice %arg10[%dma_wait3A_41, %dma_wait3A_42] : memref<10000x128xf32, #tpu.memory_space<vmem_shared>> -> memref<16x128xf32, #tpu.memory_space<vmem_shared>>
        %dma_wait3A_44 = arith.constant 0 : i32
        %dma_wait3A_45 = arith.constant 0 : i32
        %dma_wait3A_46 = tpu.memref_slice %arg9[%dma_wait3A_44, %dma_wait3A_45] : memref<208x128xf32, #tpu.memory_space<vmem>> -> memref<16x128xf32, #tpu.memory_space<vmem>>
        tpu.wait_dma2 semaphore(%run_scoped3A : memref<!tpu.dma_semaphore, #tpu.memory_space<semaphore_mem>>) src(%dma_wait3A_46 : memref<16x128xf32, #tpu.memory_space<vmem>>) dst(%dma_wait3A_43 : memref<16x128xf32, #tpu.memory_space<vmem_shared>>)
        tpu.yield
      }) : () -> ()
    } else {
    }
    %barrier3A = arith.constant 0 : index
    tpu.barrier barrier_id(%barrier3A)
    %scan3A_12 = arith.constant 0 : i32
    %scan3A_13 = arith.constant 79 : i32
    %scan3A_14 = arith.addi %scan3A_12, %scan3A_13 : i32
    %scan3A_15 = arith.constant 1 : i32
    scf.for %scan3A_25 = %scan3A_12 to %scan3A_14 step %scan3A_15  : i32 {
      %mul3A_26 = arith.constant 1 : i32
      %mul3A_27 = arith.muli %scan3A_25, %mul3A_26 : i32
      %add3A_28 = arith.constant 0 : i32
      %add3A_29 = arith.addi %add3A_28, %mul3A_27 : i32
      %mul3A_30 = arith.constant 32 : i32
      %mul3A_31 = arith.muli %add3A_29, %mul3A_30 : i32
      %add3A_32 = arith.addi %mul3A_31, %add3A : i32
      %lt3A = arith.constant 2500 : i32
      %lt3A_33 = arith.cmpi slt, %add3A_32, %lt3A : i32
      %convert_element_type3A_34 = arith.extui %lt3A_33 : i1 to i32
      %cond3A_35 = arith.constant 0 : i32
      %cond3A_36 = arith.cmpi ne, %convert_element_type3A_34, %cond3A_35 : i32
      scf.if %cond3A_36 {
        %mul3A_37 = arith.constant 128 : i32
        %mul3A_38 = arith.muli %add3A_32, %mul3A_37 : i32
        "tpu.region"() ({
          %run_scoped3A = tpu.sem_alloc : memref<!tpu.dma_semaphore, #tpu.memory_space<semaphore_mem>>
          %dma_start3A_43 = tpu.memref_slice %arg2[%mul3A_38] : memref<320000xi32, #tpu.memory_space<hbm>> -> memref<128xi32, #tpu.memory_space<hbm>>
          %dma_start3A_44 = tpu.memref_slice %arg2[%mul3A_38] : memref<320000xi32, #tpu.memory_space<hbm>> -> memref<128xi32, #tpu.memory_space<hbm>>
          tpu.enqueue_dma source(%dma_start3A_44 : memref<128xi32, #tpu.memory_space<hbm>>) target(%arg6 : memref<128xi32, #tpu.memory_space<vmem>>) target_semaphore(%run_scoped3A : memref<!tpu.dma_semaphore, #tpu.memory_space<semaphore_mem>>)
          %dma_wait3A_45 = tpu.memref_slice %arg2[%mul3A_38] : memref<320000xi32, #tpu.memory_space<hbm>> -> memref<128xi32, #tpu.memory_space<hbm>>
          %dma_wait3A_46 = tpu.memref_slice %arg2[%mul3A_38] : memref<320000xi32, #tpu.memory_space<hbm>> -> memref<128xi32, #tpu.memory_space<hbm>>
          tpu.wait_dma2 semaphore(%run_scoped3A : memref<!tpu.dma_semaphore, #tpu.memory_space<semaphore_mem>>) src(%dma_wait3A_46 : memref<128xi32, #tpu.memory_space<hbm>>) dst(%arg6 : memref<128xi32, #tpu.memory_space<vmem>>)
          tpu.yield
        }) : () -> ()
        "tpu.region"() ({
          %run_scoped3A = tpu.sem_alloc : memref<!tpu.dma_semaphore, #tpu.memory_space<semaphore_mem>>
          %dma_start3A_43 = tpu.memref_slice %arg3[%mul3A_38] : memref<320000xi32, #tpu.memory_space<hbm>> -> memref<128xi32, #tpu.memory_space<hbm>>
          %dma_start3A_44 = tpu.memref_slice %arg3[%mul3A_38] : memref<320000xi32, #tpu.memory_space<hbm>> -> memref<128xi32, #tpu.memory_space<hbm>>
          tpu.enqueue_dma source(%dma_start3A_44 : memref<128xi32, #tpu.memory_space<hbm>>) target(%arg7 : memref<128xi32, #tpu.memory_space<vmem>>) target_semaphore(%run_scoped3A : memref<!tpu.dma_semaphore, #tpu.memory_space<semaphore_mem>>)
          %dma_wait3A_45 = tpu.memref_slice %arg3[%mul3A_38] : memref<320000xi32, #tpu.memory_space<hbm>> -> memref<128xi32, #tpu.memory_space<hbm>>
          %dma_wait3A_46 = tpu.memref_slice %arg3[%mul3A_38] : memref<320000xi32, #tpu.memory_space<hbm>> -> memref<128xi32, #tpu.memory_space<hbm>>
          tpu.wait_dma2 semaphore(%run_scoped3A : memref<!tpu.dma_semaphore, #tpu.memory_space<semaphore_mem>>) src(%dma_wait3A_46 : memref<128xi32, #tpu.memory_space<hbm>>) dst(%arg7 : memref<128xi32, #tpu.memory_space<vmem>>)
          tpu.yield
        }) : () -> ()
        %dma_start3A = arith.constant 0 : i32
        %dma_start3A_39 = arith.constant 0 : i32
        %dma_start3A_40 = tpu.memref_slice %arg4[%dma_start3A, %dma_start3A_39] : memref<10000x128xf32, #tpu.memory_space<hbm>> -> memref<10000x128xf32, #tpu.memory_space<hbm>>
        tpu.enqueue_indirect_dma source(%dma_start3A_40 : memref<10000x128xf32, #tpu.memory_space<hbm>>) target(%arg8 : memref<128x128xf32, #tpu.memory_space<vmem>>) offsets(%arg6 : memref<128xi32, #tpu.memory_space<vmem>>) semaphore(%arg11 : memref<!tpu.dma_semaphore, #tpu.memory_space<semaphore_mem>>)
        %dma_wait3A = arith.constant 0 : i32
        %dma_wait3A_41 = arith.constant 0 : i32
        %dma_wait3A_42 = tpu.memref_slice %arg4[%dma_wait3A, %dma_wait3A_41] : memref<10000x128xf32, #tpu.memory_space<hbm>> -> memref<10000x128xf32, #tpu.memory_space<hbm>>
        tpu.wait_indirect_dma semaphore(%arg11 : memref<!tpu.dma_semaphore, #tpu.memory_space<semaphore_mem>>) src(%dma_wait3A_42 : memref<10000x128xf32, #tpu.memory_space<hbm>>) dst(%arg8 : memref<128x128xf32, #tpu.memory_space<vmem>>)
        "tpu.region"() ({
          %run_scoped3A = tpu.sem_alloc : memref<!tpu.dma_semaphore, #tpu.memory_space<semaphore_mem>>
          %dma_start3A_43 = arith.constant 0 : i32
          %dma_start3A_44 = arith.constant 0 : i32
          %dma_start3A_45 = tpu.memref_slice %arg10[%dma_start3A_43, %dma_start3A_44] : memref<10000x128xf32, #tpu.memory_space<vmem_shared>> -> memref<10000x128xf32, #tpu.memory_space<vmem_shared>>
          tpu.enqueue_indirect_dma source(%arg8 : memref<128x128xf32, #tpu.memory_space<vmem>>) target(%dma_start3A_45 : memref<10000x128xf32, #tpu.memory_space<vmem_shared>>) offsets(%arg7 : memref<128xi32, #tpu.memory_space<vmem>>) semaphore(%run_scoped3A : memref<!tpu.dma_semaphore, #tpu.memory_space<semaphore_mem>>) {add = true}
          %dma_wait3A_46 = arith.constant 0 : i32
          %dma_wait3A_47 = arith.constant 0 : i32
          %dma_wait3A_48 = tpu.memref_slice %arg10[%dma_wait3A_46, %dma_wait3A_47] : memref<10000x128xf32, #tpu.memory_space<vmem_shared>> -> memref<10000x128xf32, #tpu.memory_space<vmem_shared>>
          tpu.wait_indirect_dma semaphore(%run_scoped3A : memref<!tpu.dma_semaphore, #tpu.memory_space<semaphore_mem>>) src(%arg8 : memref<128x128xf32, #tpu.memory_space<vmem>>) dst(%dma_wait3A_48 : memref<10000x128xf32, #tpu.memory_space<vmem_shared>>)
          tpu.yield
        }) : () -> ()
      } else {
      }
    }
    %scan3A_16 = arith.constant 79 : i32
    %barrier3A_17 = arith.constant 0 : index
    tpu.barrier barrier_id(%barrier3A_17)
    %mul3A_18 = arith.constant 624 : i32
    %mul3A_19 = arith.muli %arg1, %mul3A_18 : i32
    "tpu.region"() ({
      %run_scoped3A = tpu.sem_alloc : memref<!tpu.dma_semaphore, #tpu.memory_space<semaphore_mem>>
      %dma_start3A = arith.constant 0 : i32
      %dma_start3A_25 = arith.constant 0 : i32
      %dma_start3A_26 = tpu.memref_slice %arg5[%arg0, %dma_start3A, %dma_start3A_25] : memref<2x10000x128xf32, #tpu.memory_space<hbm>> -> memref<1x10000x128xf32, #tpu.memory_space<hbm>>
      %dma_start3A_27 = tpu.memref_squeeze %dma_start3A_26 : memref<1x10000x128xf32, #tpu.memory_space<hbm>> -> memref<10000x128xf32, #tpu.memory_space<hbm>>
      %dma_start3A_28 = arith.constant 0 : i32
      %dma_start3A_29 = tpu.memref_slice %dma_start3A_27[%mul3A_19, %dma_start3A_28] : memref<10000x128xf32, #tpu.memory_space<hbm>> -> memref<624x128xf32, #tpu.memory_space<hbm>>
      %dma_start3A_30 = arith.constant 0 : i32
      %dma_start3A_31 = tpu.memref_slice %arg10[%mul3A_19, %dma_start3A_30] : memref<10000x128xf32, #tpu.memory_space<vmem_shared>> -> memref<624x128xf32, #tpu.memory_space<vmem_shared>>
      tpu.enqueue_dma source(%dma_start3A_31 : memref<624x128xf32, #tpu.memory_space<vmem_shared>>) target(%dma_start3A_29 : memref<624x128xf32, #tpu.memory_space<hbm>>) target_semaphore(%run_scoped3A : memref<!tpu.dma_semaphore, #tpu.memory_space<semaphore_mem>>)
      %dma_wait3A = arith.constant 0 : i32
      %dma_wait3A_32 = arith.constant 0 : i32
      %dma_wait3A_33 = tpu.memref_slice %arg5[%arg0, %dma_wait3A, %dma_wait3A_32] : memref<2x10000x128xf32, #tpu.memory_space<hbm>> -> memref<1x10000x128xf32, #tpu.memory_space<hbm>>
      %dma_wait3A_34 = tpu.memref_squeeze %dma_wait3A_33 : memref<1x10000x128xf32, #tpu.memory_space<hbm>> -> memref<10000x128xf32, #tpu.memory_space<hbm>>
      %dma_wait3A_35 = arith.constant 0 : i32
      %dma_wait3A_36 = tpu.memref_slice %dma_wait3A_34[%mul3A_19, %dma_wait3A_35] : memref<10000x128xf32, #tpu.memory_space<hbm>> -> memref<624x128xf32, #tpu.memory_space<hbm>>
      %dma_wait3A_37 = arith.constant 0 : i32
      %dma_wait3A_38 = tpu.memref_slice %arg10[%mul3A_19, %dma_wait3A_37] : memref<10000x128xf32, #tpu.memory_space<vmem_shared>> -> memref<624x128xf32, #tpu.memory_space<vmem_shared>>
      tpu.wait_dma2 semaphore(%run_scoped3A : memref<!tpu.dma_semaphore, #tpu.memory_space<semaphore_mem>>) src(%dma_wait3A_38 : memref<624x128xf32, #tpu.memory_space<vmem_shared>>) dst(%dma_wait3A_36 : memref<624x128xf32, #tpu.memory_space<hbm>>)
      tpu.yield
    }) : () -> ()
    %eq3A_20 = arith.constant 15 : i32
    %eq3A_21 = arith.cmpi eq, %arg1, %eq3A_20 : i32
    %convert_element_type3A_22 = arith.extui %eq3A_21 : i1 to i32
    %cond3A_23 = arith.constant 0 : i32
    %cond3A_24 = arith.cmpi ne, %convert_element_type3A_22, %cond3A_23 : i32
    scf.if %cond3A_24 {
      "tpu.region"() ({
        %run_scoped3A = tpu.sem_alloc : memref<!tpu.dma_semaphore, #tpu.memory_space<semaphore_mem>>
        %dma_start3A = arith.constant 0 : i32
        %dma_start3A_25 = arith.constant 0 : i32
        %dma_start3A_26 = tpu.memref_slice %arg5[%arg0, %dma_start3A, %dma_start3A_25] : memref<2x10000x128xf32, #tpu.memory_space<hbm>> -> memref<1x10000x128xf32, #tpu.memory_space<hbm>>
        %dma_start3A_27 = tpu.memref_squeeze %dma_start3A_26 : memref<1x10000x128xf32, #tpu.memory_space<hbm>> -> memref<10000x128xf32, #tpu.memory_space<hbm>>
        %dma_start3A_28 = arith.constant 9984 : i32
        %dma_start3A_29 = arith.constant 0 : i32
        %dma_start3A_30 = tpu.memref_slice %dma_start3A_27[%dma_start3A_28, %dma_start3A_29] : memref<10000x128xf32, #tpu.memory_space<hbm>> -> memref<16x128xf32, #tpu.memory_space<hbm>>
        %dma_start3A_31 = arith.constant 9984 : i32
        %dma_start3A_32 = arith.constant 0 : i32
        %dma_start3A_33 = tpu.memref_slice %arg10[%dma_start3A_31, %dma_start3A_32] : memref<10000x128xf32, #tpu.memory_space<vmem_shared>> -> memref<16x128xf32, #tpu.memory_space<vmem_shared>>
        tpu.enqueue_dma source(%dma_start3A_33 : memref<16x128xf32, #tpu.memory_space<vmem_shared>>) target(%dma_start3A_30 : memref<16x128xf32, #tpu.memory_space<hbm>>) target_semaphore(%run_scoped3A : memref<!tpu.dma_semaphore, #tpu.memory_space<semaphore_mem>>)
        %dma_wait3A = arith.constant 0 : i32
        %dma_wait3A_34 = arith.constant 0 : i32
        %dma_wait3A_35 = tpu.memref_slice %arg5[%arg0, %dma_wait3A, %dma_wait3A_34] : memref<2x10000x128xf32, #tpu.memory_space<hbm>> -> memref<1x10000x128xf32, #tpu.memory_space<hbm>>
        %dma_wait3A_36 = tpu.memref_squeeze %dma_wait3A_35 : memref<1x10000x128xf32, #tpu.memory_space<hbm>> -> memref<10000x128xf32, #tpu.memory_space<hbm>>
        %dma_wait3A_37 = arith.constant 9984 : i32
        %dma_wait3A_38 = arith.constant 0 : i32
        %dma_wait3A_39 = tpu.memref_slice %dma_wait3A_36[%dma_wait3A_37, %dma_wait3A_38] : memref<10000x128xf32, #tpu.memory_space<hbm>> -> memref<16x128xf32, #tpu.memory_space<hbm>>
        %dma_wait3A_40 = arith.constant 9984 : i32
        %dma_wait3A_41 = arith.constant 0 : i32
        %dma_wait3A_42 = tpu.memref_slice %arg10[%dma_wait3A_40, %dma_wait3A_41] : memref<10000x128xf32, #tpu.memory_space<vmem_shared>> -> memref<16x128xf32, #tpu.memory_space<vmem_shared>>
        tpu.wait_dma2 semaphore(%run_scoped3A : memref<!tpu.dma_semaphore, #tpu.memory_space<semaphore_mem>>) src(%dma_wait3A_42 : memref<16x128xf32, #tpu.memory_space<vmem_shared>>) dst(%dma_wait3A_39 : memref<16x128xf32, #tpu.memory_space<hbm>>)
        tpu.yield
      }) : () -> ()
    } else {
    }
    return
  }
}

#map = affine_map<(d0, d1) -> (0)>
#map1 = affine_map<(d0, d1) -> (0, 0, 0)>
module attributes {stable_mosaic.version = 14 : i64} {
  func.func @k(%arg0: i32, %arg1: i32, %arg2: memref<320000xi32, #tpu.memory_space<hbm>>, %arg3: memref<32x1x10000xf32, #tpu.memory_space<hbm>>, %arg4: memref<10000xi32, #tpu.memory_space<vmem>>, %arg5: memref<1x10000xf32, #tpu.memory_space<vmem>>) attributes {dimension_semantics = [#tpu.dimension_semantics<core_parallel>, #tpu.dimension_semantics<subcore_parallel>], iteration_bounds = array<i64: 2, 16>, scalar_prefetch = 0 : i64, scratch_operands = 2 : i64, tpu.core_type = #tpu.core_type<sc_vector_subcore>, window_params = [{transform_indices = #map}, {transform_indices = #map1}]} {
    %mul3A = arith.constant 16 : i32
    %mul3A_0 = arith.muli %arg0, %mul3A : i32
    %add3A = arith.addi %mul3A_0, %arg1 : i32
    %mul3A_1 = arith.constant 10000 : i32
    %mul3A_2 = arith.muli %add3A, %mul3A_1 : i32
    "tpu.region"() ({
      %run_scoped3A = tpu.sem_alloc : memref<!tpu.dma_semaphore, #tpu.memory_space<semaphore_mem>>
      %dma_start3A = tpu.memref_slice %arg2[%mul3A_2] : memref<320000xi32, #tpu.memory_space<hbm>> -> memref<10000xi32, #tpu.memory_space<hbm>>
      %dma_start3A_15 = tpu.memref_slice %arg2[%mul3A_2] : memref<320000xi32, #tpu.memory_space<hbm>> -> memref<10000xi32, #tpu.memory_space<hbm>>
      tpu.enqueue_dma source(%dma_start3A_15 : memref<10000xi32, #tpu.memory_space<hbm>>) target(%arg4 : memref<10000xi32, #tpu.memory_space<vmem>>) target_semaphore(%run_scoped3A : memref<!tpu.dma_semaphore, #tpu.memory_space<semaphore_mem>>)
      %dma_wait3A = tpu.memref_slice %arg2[%mul3A_2] : memref<320000xi32, #tpu.memory_space<hbm>> -> memref<10000xi32, #tpu.memory_space<hbm>>
      %dma_wait3A_16 = tpu.memref_slice %arg2[%mul3A_2] : memref<320000xi32, #tpu.memory_space<hbm>> -> memref<10000xi32, #tpu.memory_space<hbm>>
      tpu.wait_dma2 semaphore(%run_scoped3A : memref<!tpu.dma_semaphore, #tpu.memory_space<semaphore_mem>>) src(%dma_wait3A_16 : memref<10000xi32, #tpu.memory_space<hbm>>) dst(%arg4 : memref<10000xi32, #tpu.memory_space<vmem>>)
      tpu.yield
    }) : () -> ()
    %scan3A = arith.constant 0 : i32
    %scan3A_3 = arith.constant 625 : i32
    %scan3A_4 = arith.addi %scan3A, %scan3A_3 : i32
    %scan3A_5 = arith.constant 1 : i32
    scf.for %scan3A_15 = %scan3A to %scan3A_4 step %scan3A_5  : i32 {
      %mul3A_16 = arith.constant 1 : i32
      %mul3A_17 = arith.muli %scan3A_15, %mul3A_16 : i32
      %add3A_18 = arith.constant 0 : i32
      %add3A_19 = arith.addi %add3A_18, %mul3A_17 : i32
      %broadcast_in_dim3A_20 = arith.constant 0.000000e+00 : f32
      %broadcast_in_dim3A_21 = vector.broadcast %broadcast_in_dim3A_20 : f32 to vector<16xf32>
      %mul3A_22 = arith.constant 16 : i32
      %mul3A_23 = arith.muli %add3A_19, %mul3A_22 : i32
      %swap3A = arith.constant 0 : i32
      %swap3A_24 = arith.index_cast %swap3A : i32 to index
      %swap3A_25 = arith.index_cast %mul3A_23 : i32 to index
      %swap3A_26 = tpu.vector_load %arg5[%swap3A_24, %swap3A_25] {strides = array<i32>} : memref<1x10000xf32, #tpu.memory_space<vmem>>, vector<16xf32>,
      tpu.vector_store %arg5[%swap3A_24, %swap3A_25], %broadcast_in_dim3A_21 {strides = array<i32>} : memref<1x10000xf32, #tpu.memory_space<vmem>>, vector<16xf32>,
    }
    %scan3A_6 = arith.constant 625 : i32
    %broadcast_in_dim3A = arith.constant 1.000000e+00 : f32
    %broadcast_in_dim3A_7 = vector.broadcast %broadcast_in_dim3A : f32 to vector<16xf32>
    %broadcast_in_dim3A_8 = arith.constant 0 : i32
    %broadcast_in_dim3A_9 = vector.broadcast %broadcast_in_dim3A_8 : i32 to vector<16xi32>
    %scan3A_10 = arith.constant 0 : i32
    %scan3A_11 = arith.constant 625 : i32
    %scan3A_12 = arith.addi %scan3A_10, %scan3A_11 : i32
    %scan3A_13 = arith.constant 1 : i32
    scf.for %scan3A_15 = %scan3A_10 to %scan3A_12 step %scan3A_13  : i32 {
      %mul3A_16 = arith.constant 1 : i32
      %mul3A_17 = arith.muli %scan3A_15, %mul3A_16 : i32
      %add3A_18 = arith.constant 0 : i32
      %add3A_19 = arith.addi %add3A_18, %mul3A_17 : i32
      %mul3A_20 = arith.constant 16 : i32
      %mul3A_21 = arith.muli %add3A_19, %mul3A_20 : i32
      %get3A = arith.index_cast %mul3A_21 : i32 to index
      %get3A_22 = tpu.vector_load %arg4[%get3A] {strides = array<i32>} : memref<10000xi32, #tpu.memory_space<vmem>>, vector<16xi32>,
      tpu.vector_store_idx %arg5[%broadcast_in_dim3A_9, %get3A_22], %broadcast_in_dim3A_7 {add = true} : memref<1x10000xf32, #tpu.memory_space<vmem>>[vector<16xi32>, vector<16xi32>], vector<16xf32>,
    }
    %scan3A_14 = arith.constant 625 : i32
    "tpu.region"() ({
      %run_scoped3A = tpu.sem_alloc : memref<!tpu.dma_semaphore, #tpu.memory_space<semaphore_mem>>
      %dma_start3A = arith.constant 0 : i32
      %dma_start3A_15 = arith.constant 0 : i32
      %dma_start3A_16 = tpu.memref_slice %arg3[%add3A, %dma_start3A, %dma_start3A_15] : memref<32x1x10000xf32, #tpu.memory_space<hbm>> -> memref<1x1x10000xf32, #tpu.memory_space<hbm>>
      %dma_start3A_17 = tpu.memref_squeeze %dma_start3A_16 : memref<1x1x10000xf32, #tpu.memory_space<hbm>> -> memref<1x10000xf32, #tpu.memory_space<hbm>>
      %dma_start3A_18 = arith.constant 0 : i32
      %dma_start3A_19 = arith.constant 0 : i32
      %dma_start3A_20 = tpu.memref_slice %arg3[%add3A, %dma_start3A_18, %dma_start3A_19] : memref<32x1x10000xf32, #tpu.memory_space<hbm>> -> memref<1x1x10000xf32, #tpu.memory_space<hbm>>
      %dma_start3A_21 = tpu.memref_squeeze %dma_start3A_20 : memref<1x1x10000xf32, #tpu.memory_space<hbm>> -> memref<1x10000xf32, #tpu.memory_space<hbm>>
      tpu.enqueue_dma source(%arg5 : memref<1x10000xf32, #tpu.memory_space<vmem>>) target(%dma_start3A_21 : memref<1x10000xf32, #tpu.memory_space<hbm>>) target_semaphore(%run_scoped3A : memref<!tpu.dma_semaphore, #tpu.memory_space<semaphore_mem>>)
      %dma_wait3A = arith.constant 0 : i32
      %dma_wait3A_22 = arith.constant 0 : i32
      %dma_wait3A_23 = tpu.memref_slice %arg3[%add3A, %dma_wait3A, %dma_wait3A_22] : memref<32x1x10000xf32, #tpu.memory_space<hbm>> -> memref<1x1x10000xf32, #tpu.memory_space<hbm>>
      %dma_wait3A_24 = tpu.memref_squeeze %dma_wait3A_23 : memref<1x1x10000xf32, #tpu.memory_space<hbm>> -> memref<1x10000xf32, #tpu.memory_space<hbm>>
      %dma_wait3A_25 = arith.constant 0 : i32
      %dma_wait3A_26 = arith.constant 0 : i32
      %dma_wait3A_27 = tpu.memref_slice %arg3[%add3A, %dma_wait3A_25, %dma_wait3A_26] : memref<32x1x10000xf32, #tpu.memory_space<hbm>> -> memref<1x1x10000xf32, #tpu.memory_space<hbm>>
      %dma_wait3A_28 = tpu.memref_squeeze %dma_wait3A_27 : memref<1x1x10000xf32, #tpu.memory_space<hbm>> -> memref<1x10000xf32, #tpu.memory_space<hbm>>
      tpu.wait_dma2 semaphore(%run_scoped3A : memref<!tpu.dma_semaphore, #tpu.memory_space<semaphore_mem>>) src(%arg5 : memref<1x10000xf32, #tpu.memory_space<vmem>>) dst(%dma_wait3A_28 : memref<1x10000xf32, #tpu.memory_space<hbm>>)
      tpu.yield
    }) : () -> ()
    return
  }
}

module attributes {stable_mosaic.version = 14 : i64} {
  func.func @body(%arg0: i32, %arg1: memref<1000x128xf32, #tpu.memory_space<vmem>>, %arg2: memref<128x128xf32, #tpu.memory_space<vmem>>, %arg3: memref<1000x1xf32, #tpu.memory_space<vmem>>, %arg4: memref<1000x128xf32, #tpu.memory_space<vmem>>) attributes {dimension_semantics = [#tpu.dimension_semantics<arbitrary>], iteration_bounds = array<i64: 10>, scalar_prefetch = 0 : i64, scratch_operands = 0 : i64, tpu.core_type = #tpu.core_type<tc>, window_params = [{transform_indices = @transform_0, window_bounds = array<i64: 1000, 128>}, {pipeline_mode = #tpu.pipeline_mode<synchronous>, transform_indices = @transform_1, window_bounds = array<i64: 128, 128>}, {transform_indices = @transform_2, window_bounds = array<i64: 1000, 1>}, {transform_indices = @transform_3, window_bounds = array<i64: 1000, 128>}]} {
    %get3A = arith.constant 0 : index
    %get3A_0 = arith.constant 0 : index
    %get3A_1 = vector.load %arg1[%get3A, %get3A_0] : memref<1000x128xf32, #tpu.memory_space<vmem>>, vector<1000x128xf32>
    %get3A_2 = arith.constant 0 : index
    %get3A_3 = arith.constant 0 : index
    %get3A_4 = vector.load %arg2[%get3A_2, %get3A_3] : memref<128x128xf32, #tpu.memory_space<vmem>>, vector<128x128xf32>
    %dot_general3A = arith.constant dense<0.000000e+00> : vector<1000x128xf32>
    %dot_general3A_5 = tpu.matmul %get3A_1, %get3A_4, %dot_general3A {dimension_numbers = #tpu.dot_dimension_numbers<[1], [0], [0], [1], [0, 0, 1, 1], [], []>, transpose_lhs_hint = false} : vector<1000x128xf32>, vector<128x128xf32>, vector<1000x128xf32> -> vector<1000x128xf32>
    %get3A_6 = arith.constant 0 : index
    %get3A_7 = arith.constant 0 : index
    %get3A_8 = vector.load %arg3[%get3A_6, %get3A_7] : memref<1000x1xf32, #tpu.memory_space<vmem>>, vector<1000x1xf32>
    %mul3A = vector.broadcast %get3A_8 : vector<1000x1xf32> to vector<1000x128xf32>
    %mul3A_9 = arith.mulf %dot_general3A_5, %mul3A : vector<1000x128xf32>
    %swap3A = arith.constant 0 : index
    %swap3A_10 = arith.constant 0 : index
    %swap3A_11 = vector.load %arg4[%swap3A, %swap3A_10] : memref<1000x128xf32, #tpu.memory_space<vmem>>, vector<1000x128xf32>
    tpu.vector_store %arg4[%swap3A, %swap3A_10], %mul3A_9 {strides = array<i32>} : memref<1000x128xf32, #tpu.memory_space<vmem>>, vector<1000x128xf32>,
    return
  }
  func.func @transform_0(%arg0: i32) -> (i32, i32) {
    %c0_i32 = arith.constant 0 : i32
    %c0_i32_0 = arith.constant 0 : i32
    return %arg0, %c0_i32 : i32, i32
  }
  func.func @transform_1(%arg0: i32) -> (i32, i32) {
    %c0_i32 = arith.constant 0 : i32
    %c0_i32_0 = arith.constant 0 : i32
    %c0_i32_1 = arith.constant 0 : i32
    return %c0_i32, %c0_i32_0 : i32, i32
  }
  func.func @transform_2(%arg0: i32) -> (i32, i32) {
    %c0_i32 = arith.constant 0 : i32
    %c0_i32_0 = arith.constant 0 : i32
    return %arg0, %c0_i32 : i32, i32
  }
  func.func @transform_3(%arg0: i32) -> (i32, i32) {
    %c0_i32 = arith.constant 0 : i32
    %c0_i32_0 = arith.constant 0 : i32
    return %arg0, %c0_i32 : i32, i32
  }
}

module attributes {stable_mosaic.version = 14 : i64} {
  func.func @body(%arg0: memref<32x10000xf32, #tpu.memory_space<vmem>>, %arg1: memref<10000x1xf32, #tpu.memory_space<vmem>>) attributes {dimension_semantics = [], scalar_prefetch = 0 : i64, scratch_operands = 0 : i64, tpu.core_type = #tpu.core_type<tc>} {
    %get3A = arith.constant 0 : index
    %get3A_0 = arith.constant 0 : index
    %get3A_1 = vector.load %arg0[%get3A, %get3A_0] : memref<32x10000xf32, #tpu.memory_space<vmem>>, vector<32x10000xf32>
    %reduce_sum3A = arith.constant dense<0.000000e+00> : vector<10000xf32>
    %reduce_sum3A_2 = vector.multi_reduction <add>, %get3A_1, %reduce_sum3A [0] : vector<32x10000xf32> to vector<10000xf32>
    %add3A = arith.constant 1.000000e+00 : f32
    %add3A_3 = vector.broadcast %add3A : f32 to vector<10000xf32>
    %add3A_4 = arith.addf %reduce_sum3A_2, %add3A_3 : vector<10000xf32>
    %rsqrt3A = math.rsqrt %add3A_4 : vector<10000xf32>
    %broadcast_in_dim3A = vector.shape_cast %rsqrt3A : vector<10000xf32> to vector<10000x1xf32>
    %swap3A = arith.constant 0 : index
    %swap3A_5 = arith.constant 0 : index
    %swap3A_6 = vector.load %arg1[%swap3A, %swap3A_5] : memref<10000x1xf32, #tpu.memory_space<vmem>>, vector<10000x1xf32>
    tpu.vector_store %arg1[%swap3A, %swap3A_5], %broadcast_in_dim3A {strides = array<i32>} : memref<10000x1xf32, #tpu.memory_space<vmem>>, vector<10000x1xf32>,
    return
  }
}

module attributes {stable_mosaic.version = 14 : i64} {
  func.func @body(%arg0: i32, %arg1: memref<2x1000x128xf32, #tpu.memory_space<vmem>>, %arg2: memref<1000x128xf32, #tpu.memory_space<vmem>>, %arg3: memref<1000x1xf32, #tpu.memory_space<vmem>>, %arg4: memref<1x128xf32, #tpu.memory_space<vmem>>, %arg5: memref<1000x128xf32, #tpu.memory_space<vmem>>) attributes {dimension_semantics = [#tpu.dimension_semantics<arbitrary>], iteration_bounds = array<i64: 10>, scalar_prefetch = 0 : i64, scratch_operands = 0 : i64, tpu.core_type = #tpu.core_type<tc>, window_params = [{transform_indices = @transform_0, window_bounds = array<i64: 2, 1000, 128>}, {transform_indices = @transform_1, window_bounds = array<i64: 1000, 128>}, {transform_indices = @transform_2, window_bounds = array<i64: 1000, 1>}, {pipeline_mode = #tpu.pipeline_mode<synchronous>, transform_indices = @transform_3, window_bounds = array<i64: 1, 128>}, {transform_indices = @transform_4, window_bounds = array<i64: 1000, 128>}]} {
    %get3A = arith.constant 0 : index
    %get3A_0 = arith.constant 0 : index
    %get3A_1 = arith.constant 0 : index
    %get3A_2 = vector.load %arg1[%get3A, %get3A_0, %get3A_1] : memref<2x1000x128xf32, #tpu.memory_space<vmem>>, vector<1x1000x128xf32>
    %get3A_3 = vector.shape_cast %get3A_2 : vector<1x1000x128xf32> to vector<1000x128xf32>
    %get3A_4 = arith.constant 1 : index
    %get3A_5 = arith.constant 0 : index
    %get3A_6 = arith.constant 0 : index
    %get3A_7 = vector.load %arg1[%get3A_4, %get3A_5, %get3A_6] : memref<2x1000x128xf32, #tpu.memory_space<vmem>>, vector<1x1000x128xf32>
    %get3A_8 = vector.shape_cast %get3A_7 : vector<1x1000x128xf32> to vector<1000x128xf32>
    %add3A = arith.addf %get3A_3, %get3A_8 : vector<1000x128xf32>
    %get3A_9 = arith.constant 0 : index
    %get3A_10 = arith.constant 0 : index
    %get3A_11 = vector.load %arg2[%get3A_9, %get3A_10] : memref<1000x128xf32, #tpu.memory_space<vmem>>, vector<1000x128xf32>
    %add3A_12 = arith.addf %add3A, %get3A_11 : vector<1000x128xf32>
    %get3A_13 = arith.constant 0 : index
    %get3A_14 = arith.constant 0 : index
    %get3A_15 = vector.load %arg3[%get3A_13, %get3A_14] : memref<1000x1xf32, #tpu.memory_space<vmem>>, vector<1000x1xf32>
    %mul3A = vector.broadcast %get3A_15 : vector<1000x1xf32> to vector<1000x128xf32>
    %mul3A_16 = arith.mulf %add3A_12, %mul3A : vector<1000x128xf32>
    %get3A_17 = arith.constant 0 : index
    %get3A_18 = arith.constant 0 : index
    %get3A_19 = vector.load %arg4[%get3A_17, %get3A_18] : memref<1x128xf32, #tpu.memory_space<vmem>>, vector<1x128xf32>
    %add3A_20 = vector.broadcast %get3A_19 : vector<1x128xf32> to vector<1000x128xf32>
    %add3A_21 = arith.addf %mul3A_16, %add3A_20 : vector<1000x128xf32>
    %max3A = arith.constant 0.000000e+00 : f32
    %max3A_22 = vector.broadcast %max3A : f32 to vector<1000x128xf32>
    %max3A_23 = arith.maximumf %add3A_21, %max3A_22 : vector<1000x128xf32>
    %swap3A = arith.constant 0 : index
    %swap3A_24 = arith.constant 0 : index
    %swap3A_25 = vector.load %arg5[%swap3A, %swap3A_24] : memref<1000x128xf32, #tpu.memory_space<vmem>>, vector<1000x128xf32>
    tpu.vector_store %arg5[%swap3A, %swap3A_24], %max3A_23 {strides = array<i32>} : memref<1000x128xf32, #tpu.memory_space<vmem>>, vector<1000x128xf32>,
    return
  }
  func.func @transform_0(%arg0: i32) -> (i32, i32, i32) {
    %c0_i32 = arith.constant 0 : i32
    %c0_i32_0 = arith.constant 0 : i32
    %c0_i32_1 = arith.constant 0 : i32
    return %c0_i32, %arg0, %c0_i32_0 : i32, i32, i32
  }
  func.func @transform_1(%arg0: i32) -> (i32, i32) {
    %c0_i32 = arith.constant 0 : i32
    %c0_i32_0 = arith.constant 0 : i32
    return %arg0, %c0_i32 : i32, i32
  }
  func.func @transform_2(%arg0: i32) -> (i32, i32) {
    %c0_i32 = arith.constant 0 : i32
    %c0_i32_0 = arith.constant 0 : i32
    return %arg0, %c0_i32 : i32, i32
  }
  func.func @transform_3(%arg0: i32) -> (i32, i32) {
    %c0_i32 = arith.constant 0 : i32
    %c0_i32_0 = arith.constant 0 : i32
    %c0_i32_1 = arith.constant 0 : i32
    return %c0_i32, %c0_i32_0 : i32, i32
  }
  func.func @transform_4(%arg0: i32) -> (i32, i32) {
    %c0_i32 = arith.constant 0 : i32
    %c0_i32_0 = arith.constant 0 : i32
    return %arg0, %c0_i32 : i32, i32
  }
}

</mosaic_0001>

<sc_bundles>
// kernel: kernel.10.cloned.1.call-start
scs
__scs_entry_jumppad:
0x0: {  	(pc) =	sbr.rel $0x88, $3  }
0x1: {  	(tag) =	ssettag $0x0;
	lr =	simm.s32 $0x1  }
0x2: {  	[smem:$0x3F9D] =	sst lr;
	_ =	strace $0xD0000000  }
0x3: {  	_ = 	snop  }
0x4: {  	_ = 	snop  }
0x5: {  	_ = 	snop  }
0x6: {  	_ = 	snop  }
0x7: {  	_ = 	snop  }
__scs_overlays_trampoline_lowered:
0x8: {  	[smem:$0x3FAC] =	sst s0  }
0x9: {  	[smem:$0x3FAD] =	sst s1  }
0xa: {  	[smem:$0x3FAE] =	sst s2  }
0xb: {  	[smem:$0x3FAF] =	sst s3  }
0xc: {  	[smem:$0x3FB0] =	sst s4  }
0xd: {  	[smem:$0x3FB1] =	sst s5  }
0xe: {  	[smem:$0x3FB2] =	sst s6  }
0xf: {  	[smem:$0x3FB3] =	sst s7  }
0x10: {  	[smem:$0x3FB4] =	sst s8  }
0x11: {  	[smem:$0x3FB5] =	sst s9;
	s0 =	simm.s32 @!p0 $0x0  }
0x12: {  	s1 =	sld [smem:$0x3F9B];
	s0 =	simm.s32 @p0 $0x1  }
0x13: {  	[smem:$0x3FB6] =	sst s0;
	s0 =	simm.s32 @!p1 $0x0  }
0x14: {  	s2 =	sld [smem:$0x3F9A];
	s0 =	simm.s32 @p1 $0x1  }
0x15: {  	[smem:$0x3FB7] =	sst s0;
	s0 =	simm.s32 @!p2 $0x0  }
0x16: {  	s3 =	sld [smem:$0x3FDB];
	s0 =	simm.s32 @p2 $0x1  }
0x17: {  	s4 =	simm.s32 $0x1BF5;
	[smem:$0x3FB9] =	sst s0  }
0x18: {  	s0 =	sld [smem:$0x3F9C];
	_ =	swait.ge [sflag:s4], $0x0  }
0x19: {  	s7 =	sld [smem:$0x3F9D]  }
0x1a: {  	s8 =	sadd.s32 $0xFFFFE003, lr  }
0x1b: {  	s9 =	sadd.s32 $0xFFFFFEF7, lr;
	s5 =	simm.s32 $0xFFFFFFFF;
	p2 =	slt.u32 s8, $0xFFFFF086  }
0x1c: {  	p1 =	slt.u32 s9, $0xF7A;
	s5 =	simm.s32 @!p2 $0x0  }
0x1d: {  	s5 =	simm.s32 @p1 $0x1;
	p0 =	seq.s32 s7, s2  }
0x1e: {  	s7 =	smul.u32 @!p0 $0xF7A, s2;
	p2 =	seq.s32 @!p0 s5, $0x0  }
0x1f: {  	s9 =	smul.u32 $0xF7A, s1;
	s8 =	simm.s32 @!p0 $0x1BF5;
	p2 =	por !p2, p0  }
0x20: {  	[sflag:s8] =	ssyncset.s32 @!p0 $0xFFFFF086;
	s6 =	sadd.s32 @!p0 s3, s7;
	s7 =	simm.s32 @!p0 $0x108  }
0x21: {  	s3 =	sadd.s32 s3, s9;
	s6 =	sadd.s32 @!p0 $0x88, s6;
	s7 =	simm.s32 @p2 $0x1082  }
0x22: {  	[simem:s7], [sflag:s8] =	dma.local @!p0 [hbm:s6], $0xF7A  }
0x23: {  	s9 =	sor.u32 $0xD0000000, s2;
	s6 =	simm.s32 $0x108;
	_ =	swait.ge @!p0 [sflag:s8], $0x0  }
0x24: {  	s3 =	sadd.s32 $0x88, s3;
	s6 =	simm.s32 @!p1 $0x1082;
	[sflag:s4] =	ssyncset.s32 $0xFFFFF086  }
0x25: {  	[simem:s6], [sflag:s4] =	dma.local [hbm:s3], $0xF7A  }
0x26: {  	[smem:$0x3F9D] =	sst s1;
	(tag) =	ssettag s2;
	_ =	strace s9  }
0x27: {  	s1 =	sld [smem:$0x3FAD]  }
0x28: {  	s2 =	sld [smem:$0x3FAE]  }
0x29: {  	s4 =	sld [smem:$0x3FB0]  }
0x2a: {  	p0 =	seq.s32 s5, $0x0;
	s5 =	sld [smem:$0x3FB1]  }
0x2b: {  	s6 =	sld [smem:$0x3FB2]  }
0x2c: {  	s7 =	sld [smem:$0x3FB3]  }
0x2d: {  	s3 =	simm.s32 $0x108;
	s8 =	sld [smem:$0x3FB4]  }
0x2e: {  	s3 =	simm.s32 @!p0 $0x1082;
	s9 =	sld [smem:$0x3FB5]  }
0x2f: {  	lr =	sadd.s32 s0, s3;
	s0 =	sld [smem:$0x3FAC]  }
0x30: {  	s3 =	sld [smem:$0x3FAF]  }
0x31: {  	[smem:$0x3FB8] =	sst s10  }
0x32: {  	s10 =	sld [smem:$0x3FB6];
	_ =	sdelay $0x3  }
0x33: {  	p0 =	seq.s32 s10, $0x1;
	s10 =	sld [smem:$0x3FB8];
	_ =	sdelay $0x3  }
0x34: {  	[smem:$0x3FB8] =	sst s10  }
0x35: {  	s10 =	sld [smem:$0x3FB7];
	_ =	sdelay $0x3  }
0x36: {  	p1 =	seq.s32 s10, $0x1;
	s10 =	sld [smem:$0x3FB8];
	_ =	sdelay $0x3  }
0x37: {  	[smem:$0x3FB8] =	sst s10  }
0x38: {  	s10 =	sld [smem:$0x3FB9]  }
0x39: {  	_ = 	snop;
	(pc) =	sbr.ind lr, $3  }
0x3a: {  	_ = 	snop  }
0x3b: {  	_ = 	snop  }
0x3c: {  	p2 =	seq.s32 s10, $0x1;
	s10 =	sld [smem:$0x3FB8]  }
0x3d: {  	_ =	shalt  }
0x3e: {  	_ =	shalt  }
0x3f: {  	_ =	shalt  }
0x40: {  	_ =	shalt  }
0x41: {  	_ =	shalt  }
0x42: {  	_ =	shalt  }
0x43: {  	_ =	shalt  }
0x44: {  	_ =	shalt  }
0x45: {  	_ =	shalt  }
0x46: {  	_ =	shalt  }
0x47: {  	_ =	shalt  }
0x48: {  	_ =	shalt  }
0x49: {  	_ =	shalt  }
0x4a: {  	_ =	shalt  }
0x4b: {  	_ =	shalt  }
0x4c: {  	_ =	shalt  }
0x4d: {  	_ =	shalt  }
0x4e: {  	_ =	shalt  }
0x4f: {  	_ =	shalt  }
0x50: {  	_ =	shalt  }
0x51: {  	_ =	shalt  }
0x52: {  	_ =	shalt  }
0x53: {  	_ =	shalt  }
0x54: {  	_ =	shalt  }
0x55: {  	_ =	shalt  }
0x56: {  	_ =	shalt  }
0x57: {  	_ =	shalt  }
0x58: {  	_ =	shalt  }
0x59: {  	_ =	shalt  }
0x5a: {  	_ =	shalt  }
0x5b: {  	_ =	shalt  }
0x5c: {  	_ =	shalt  }
0x5d: {  	_ =	shalt  }
0x5e: {  	_ =	shalt  }
0x5f: {  	_ =	shalt  }
0x60: {  	_ =	shalt  }
0x61: {  	_ =	shalt  }
0x62: {  	_ =	shalt  }
0x63: {  	_ =	shalt  }
0x64: {  	_ =	shalt  }
0x65: {  	_ =	shalt  }
0x66: {  	_ =	shalt  }
0x67: {  	_ =	shalt  }
0x68: {  	_ =	shalt  }
0x69: {  	_ =	shalt  }
0x6a: {  	_ =	shalt  }
0x6b: {  	_ =	shalt  }
0x6c: {  	_ =	shalt  }
0x6d: {  	_ =	shalt  }
0x6e: {  	_ =	shalt  }
0x6f: {  	_ =	shalt  }
0x70: {  	_ =	shalt  }
0x71: {  	_ =	shalt  }
0x72: {  	_ =	shalt  }
0x73: {  	_ =	shalt  }
0x74: {  	_ =	shalt  }
0x75: {  	_ =	shalt  }
0x76: {  	_ =	shalt  }
0x77: {  	_ =	shalt  }
0x78: {  	_ =	shalt  }
0x79: {  	_ =	shalt  }
0x7a: {  	_ =	shalt  }
0x7b: {  	_ =	shalt  }
0x7c: {  	_ =	shalt  }
0x7d: {  	_ =	shalt  }
0x7e: {  	_ =	shalt  }
0x7f: {  	_ =	shalt  }
0x80: {  	_ =	shalt  }
0x81: {  	_ =	shalt  }
0x82: {  	_ =	shalt  }
0x83: {  	_ =	shalt  }
0x84: {  	_ =	shalt  }
0x85: {  	_ =	shalt  }
0x86: {  	_ =	shalt  }
0x87: {  	_ =	shalt  }
.Lfunc_end0:
.L_simem_size_0:
called_computation.1_lowered:
.L_overlay_start_0:
0x88: {  	s2 =	sld [smem:$0x3FD9]  }
0x89: {  	s3 =	sld [smem:$0x3FFE];
	_ =	sdelay $0x1  }
0x8a: {  	s1 =	srdreg.scid  }
0x8b: {  	s0 =	sand.u32 $0x1, s1  }
0x8c: {  	s17 =	sshll.u32 s0, $0xA;
	s2 =	sadd.s32 s3, s2  }
0x8d: {  	s2 =	sadd.s32 s2, s17  }
0x8e: {  	[smem:$0x3FC4] =	sst s2  }
0x8f: {  	_ = 	snop  }
0x90: {  	s2 =	sld [smem:$0x3FD0];
	(tm) =	ssettm $0x1  }
0x91: {  	s18 =	sld [smem:$0x3FFB];
	_ =	sdelay $0x3  }
0x92: {  	_ =	strace s18  }
0x93: {  	s3 =	sld [smem:$0x3FFC];
	_ =	sdelay $0x3  }
0x94: {  	_ =	strace s3  }
0x95: {  	s3 =	sld [smem:$0x3FFD];
	_ =	sdelay $0x3  }
0x96: {  	_ =	strace s3  }
0x97: {  	_ =	strace $0x8FFFFFFF  }
0x98: {  	s19 =	sld [smem:$0x3FDB];
	_ =	sdelay $0x1  }
0x99: {  	s4 =	simm.s32 $_scs_section_size  }
0x9a: {  	s5 =	simm.s32 $_size__tile_overlayer_lowered;
	s6 =	simm.s32 $_tile_overlayer_lowered  }
0x9b: {  	s22 =	simm.s32 $0x1BFF;
	s21 =	sshll.u32 s6, $0x1;
	s3 =	sadd.s32 s4, s19  }
0x9c: {  	s7 =	simm.s32 $0x0;
	s20 =	sshll.u32 s5, $0x1;
	s5 =	sadd.s32 s21, s3  }
0x9d: {  	[timem:s7], [sflag:s22] =	dma.local [hbm:s5], s20  }
0x9e: {  	_ =	swait.ge [sflag:s22], s20  }
0x9f: {  	s4 =	ssub.s32 $0x0, s20;
	[sflag:s22] =	ssyncset.done $0x0  }
0xa0: {  	[sflag:s22] =	ssyncadd.s32 s4;
	_ =	sdelay $0x1  }
0xa1: {  	s23 =	simm.s32 $0x1B8B  }
0xa2: {  	_ =	swait.ge [sflag:s23], $0x1  }
0xa3: {  	[sflag:s23] =	ssyncset.done $0x0  }
0xa4: {  	s25 =	simm.s32 $0x1B8E;
	s24 =	sld [smem:$0x3FFE];
	[sflag:s23] =	ssyncadd.s32 $0xFFFFFFFF  }
0xa5: {  	s26 =	simm.s32 $execute0_lowered;
	[smem:$0x3FD2] =	sst s25  }
0xa6: {  	s5 =	sshll.u32 s26, $0x1;
	_ =	strace $0x80000049;
	[dreg:$0x1] =	wrdreg $0xFFFFFFFF  }
0xa7: {  	s28 =	simm.s32 $_size_execute0_lowered;
	s3 =	sadd.s32 s3, s5;
	[dreg:$0x0] =	wrdreg $0x0  }
0xa8: {  	s5 =	sshll.u32 s28, $0x1;
	[dreg:$0x2] =	wrdreg s3  }
0xa9: {  	[dreg:$0x3] =	wrdreg s5  }
0xaa: {  	[dreg:$0x4] =	wrdreg $0xC0  }
0xab: {  	_ =	task [dreg:s7], $0x5FFFF  }
0xac: {  	[dreg:$0x1] =	wrdreg $0xFFFFFFFF  }
0xad: {  	[dreg:$0x0] =	wrdreg $0x60  }
0xae: {  	[dreg:$0x2] =	wrdreg s24  }
0xaf: {  	[dreg:$0x3] =	wrdreg s2  }
0xb0: {  	[dreg:$0x4] =	wrdreg $0xA9000  }
0xb1: {  	[dreg:$0x5] =	wrdreg $0x9  }
0xb2: {  	_ =	task.clear_ibuf [dreg:s7], $0x6FFFF;
	_ =	strace $0x90000049  }
0xb3: {  	s29 =	simm.s32 $0x9;
	_ =	strace $0x8000004B  }
0xb4: {  	_ =	swait.ge [sflag:s29], $0x1  }
0xb5: {  	[sflag:s29] =	ssyncadd.s32 $0xFFFFFFFF  }
0xb6: {  	_ =	strace $0x9000004B  }
0xb7: {  	_ =	sfence  }
0xb8: {  	s30 =	sld [smem:$0x0];
	_ =	sdelay $0x2  }
0xb9: {  	s31 =	sshll.u32 s1, $0xD;
	s1 =	sshrl.u32 s1, $0x2  }
0xba: {  	s3 =	sand.u32 $0x4000, s31;
	s1 =	sadd.s32 s1, s30  }
0xbb: {  	s0 =	sor.u32 s3, s0;
	s1 =	sshll.u32 s1, $0x11  }
0xbc: {  	s0 =	sor.u32 s1, s0  }
0xbd: {  	s0 =	sadd.s32 $0x8F2B, s0  }
0xbe: {  	[sflag:s0] =	ssyncadd.remote.s32 $0x1  }
0xbf: {  	_ =	sfence.sel $0xFFFF  }
0xc0: {  	[dreg:$0x0] =	wrdreg $0xFFFFFFFF;
	(pc) =	sbr.abs _section_cstart, $3  }
0xc1: {  	[dreg:$0x1] =	wrdreg $0xFFFFFFFF  }
0xc2: {  	_ =	task.clear_ibuf [dreg:s7], $0x2FFFF;
	_ =	strace $0x9FFFFFFF  }
0xc3: {  	(tm) =	ssettm $0x7FFFFFFF  }
tec
execute0_lowered:
.L_overlay_start_1:
0x0: {  	(tag) =	ssettag $0x1  }
0x1: {  	s5 =	rddreg [dreg:$0x0]  }
0x2: {  	s1 =	rddreg [dreg:$0x1]  }
0x3: {  	s2 =	rddreg [dreg:$0x2]  }
0x4: {  	s0 =	rddreg [dreg:$0x3];
	s3 =	simm.s32 $0x0;
	s4 =	srdreg.scid  }
0x5: {  	s14 =	simm.s32 $0x4100;
	s15 =	simm.s32 $0x2;
	[smem:$0x7FF] =	sst s3  }
0x6: {  	s6 =	sand.u32 $0x1, s4;
	s4 =	stileid.u32;
	_ =	strace $0x8000004A  }
0x7: {  	s7 =	smul.u32 $0x27100, s6;
	s8 =	ssub.s32 $0x2, s6;
	s9 =	sshll.u32 s6, $0x8  }
0x8: {  	s11 =	smul.u32 $0x4E000, s4;
	s13 =	sshll.u32 s6, $0x4;
	s31 =	sshll.u32 s4, $0x4  }
0x9: {  	s16 =	smul.u32 $0x2700, s4;
	p0 =	sne.s32 s4, $0xF;
	s10 =	sshrl.u32 s8, $0x1  }
0xa: {  	s9 =	sadd.s32 s9, s5;
	s13 =	sor.u32 s13, s4;
	s7 =	sadd.s32 s7, s5  }
0xb: {  	s8 =	ssub.s32 s8, s10;
	s5 =	sadd.s32 $0x138000, s2;
	s30 =	sshrl.u32 s11, $0x2  }
0xc: {  	s12 =	sadd.s32 s31, s9;
	s6 =	sadd.s32 $0x15400, s7;
	s7 =	sadd.s32 s30, s2  }
0xd: {  	s8 =	smax.u32 s8, $0x1;
	s11 =	sadd.s32 $0x1800, s12;
	s12 =	sadd.s32 $0xB600, s12  }
0xe: {  	v0 =	vimm.f32 $0.0e+00;
	s9 =	sadd.s32 $0x6800, s7;
	s10 =	sadd.s32 $0xD000, s7;
	s16 =	sadd.s32 s16, s6  }
.LBB2_1:
0xf: {  	s17 =	simm.s32 $0x70;
	s18 =	simm.s32 $0x3C0  }
.LBB2_2:
0x10: {  	p1 =	sne.s32 s18, $0x19FC0;
	[tilespmem:s17+$0x4100] =	vst v0  }
0x11: {  	[tilespmem:s17+$0x4090] =	vst v0  }
0x12: {  	[tilespmem:s17+$0x40A0] =	vst v0  }
.Ltmp0:
0x13: {  	[tilespmem:s17+$0x40B0] =	vst v0;
	(pc) =	sbr.rel @p1 .LBB2_2-.Ltmp0, $4  }
0x14: {  	[tilespmem:s17+$0x40C0] =	vst v0  }
0x15: {  	[tilespmem:s17+$0x40D0] =	vst v0  }
0x16: {  	[tilespmem:s17+$0x40E0] =	vst v0  }
0x17: {  	[tilespmem:s17+$0x40F0] =	vst v0;
	s17 =	sshra.s32 s18, $0x2;
	s18 =	sadd.s32 $0x200, s18  }
0x18: {  	[tilespmem:s17+$0x4100] =	vst v0  }
0x19: {  	[tilespmem:s17+$0x4090] =	vst v0  }
0x1a: {  	[tilespmem:s17+$0x40A0] =	vst v0  }
0x1b: {  	[tilespmem:s17+$0x40B0] =	vst v0  }
0x1c: {  	[tilespmem:s17+$0x40C0] =	vst v0  }
0x1d: {  	[tilespmem:s17+$0x40D0] =	vst v0  }
0x1e: {  	[tilespmem:s17+$0x40E0] =	vst v0  }
0x1f: {  	[tilespmem:s17+$0x40F0] =	vst v0  }
0x20: {  	[spmem:s7] =	stream.linear.scatter [tilespmem:s14], [sflag:$0x2], $0x6800, $0x38;
	[tilespmem:$0x1E180] =	vst v63  }
0x21: {  	_ =	swait.ge [sflag:s15], $0x6800  }
0x22: {  	[sflag:s15] =	ssyncset.done $0x0  }
0x23: {  	[sflag:s15] =	ssyncadd.s32 $0xFFFF9800  }
0x24: {  	[spmem:s9] =	stream.linear.scatter [tilespmem:s14], [sflag:$0x2], $0x6800, $0x38;
	[tilespmem:$0x1E180] =	vst v63  }
0x25: {  	_ =	swait.ge [sflag:s15], $0x6800  }
0x26: {  	[sflag:s15] =	ssyncset.done $0x0  }
0x27: {  	[sflag:s15] =	ssyncadd.s32 $0xFFFF9800  }
0x28: {  	[spmem:s10] =	stream.linear.scatter [tilespmem:s14], [sflag:$0x2], $0x6800, $0x38;
	[tilespmem:$0x1E180] =	vst v63  }
0x29: {  	_ =	swait.ge [sflag:s15], $0x6800  }
0x2a: {  	[sflag:s15] =	ssyncset.done $0x0  }
0x2b: {  	s17 =	simm.s32 @!p0 $0x4100;
	[sflag:s15] =	ssyncadd.s32 $0xFFFF9800  }
0x2c: {  	[spmem:s5] =	stream.linear.scatter @!p0 [tilespmem:s17], [sflag:$0x2], $0x800, $0x38;
	[tilespmem:$0x1E180] =	vst v63  }
0x2d: {  	s17 =	simm.s32 @!p0 $0x2  }
0x2e: {  	_ =	swait.ge @!p0 [sflag:s17], $0x800  }
0x2f: {  	p1 =	sgt.u32 s13, $0x9C3;
	[sflag:s17] =	ssyncset.done @!p0 $0x0  }
0x30: {  	s18 =	simm.s32 @!p1 $0x0;
	[sflag:s17] =	ssyncadd.s32 @!p0 $0xFFFFF800  }
0x31: {  	s19 =	simm.s32 @!p1 $0x3;
	s17 =	sadd.s32 @!p1 $0x0, s12;
	[bflag:$0x0] =	sbarrier.arrive $0xFFFF  }
0x32: {  	[tilespmem:s18], [sflag:$0x3] =	stream.linear.gather @!p1 [hbm4b:s17+s18], $0x80, $0x38;
	[tilespmem:$0x1E180] =	vst v63  }
0x33: {  	_ =	swait.ge @!p1 [sflag:s19], $0x80;
	p1 =	por p1, p1  }
0x34: {  	[sflag:s19] =	ssyncset.done @!p1 $0x0  }
0x35: {  	s17 =	sadd.s32 @!p1 $0x0, s11;
	s20 =	simm.s32 @!p1 $0x80;
	[sflag:s19] =	ssyncadd.s32 @!p1 $0xFFFFFF80  }
0x36: {  	[tilespmem:s20], [sflag:$0x3] =	stream.linear.gather @!p1 [hbm4b:s17+s18], $0x80, $0x38;
	[tilespmem:$0x1E180] =	vst v63  }
0x37: {  	_ =	swait.ge @!p1 [sflag:s19], $0x80  }
0x38: {  	[sflag:s19] =	ssyncset.done @!p1 $0x0  }
0x39: {  	s17 =	simm.s32 @!p1 $0x100;
	[sflag:s19] =	ssyncadd.s32 @!p1 $0xFFFFFF80;
	s19 =	simm.s32 @!p1 $0x1  }
0x3a: {  	[tilespmem:s17], [sflag:$0x1] =	stream.indirect.gather @!p1 [hbm4b:s1+s20], $0x80, s18, s20, $0xb8;
	[tilespmem:$0x1E180] =	vst v63  }
0x3b: {  	_ =	swait.ge @!p1 [sflag:s19], $0x4000  }
0x3c: {  	[sflag:s19] =	ssyncset.done @!p1 $0x0  }
0x3d: {  	s18 =	sadd.s32 $0x20, s13;
	[sflag:s19] =	ssyncadd.s32 @!p1 $0xFFFFC000  }
0x3e: {  	[spmem:s2] =	stream.indirect.scatter.add.f32 @!p1 [tilespmem:s17], [sflag:$0x2], $0x80, s20, s20, $0xb8;
	[tilespmem:$0x1E180] =	vst v63  }
0x3f: {  	p3 =	sgt.u32 s18, $0x9C3;
	s20 =	simm.s32 @!p1 $0x2  }
0x40: {  	s19 =	simm.s32 $0x400;
	s17 =	simm.s32 $0x200;
	_ =	swait.ge @!p1 [sflag:s20], $0x4000  }
.LBB2_4:
0x41: {  	s21 =	sadd.s32 @!p3 s17, s12  }
0x42: {  	s22 =	simm.s32 @!p3 $0x0;
	[sflag:s20] =	ssyncset.done @!p1 $0x0;
	s23 =	smov.u32 s19  }
0x43: {  	s19 =	sadd.s32 $0x200, s19;
	s24 =	simm.s32 @!p3 $0x3;
	[sflag:s20] =	ssyncadd.s32 @!p1 $0xFFFFC000  }
0x44: {  	[tilespmem:s22], [sflag:$0x3] =	stream.linear.gather @!p3 [hbm4b:s21+s22], $0x80, $0x38;
	[tilespmem:$0x1E180] =	vst v63  }
0x45: {  	p2 =	sne.s32 s19, $0x9E00;
	p1 =	por p3, p3;
	_ =	swait.ge @!p3 [sflag:s24], $0x80  }
0x46: {  	[sflag:s24] =	ssyncset.done @!p1 $0x0  }
0x47: {  	s17 =	sadd.s32 @!p1 s17, s11;
	s21 =	simm.s32 @!p1 $0x80;
	[sflag:s24] =	ssyncadd.s32 @!p1 $0xFFFFFF80  }
0x48: {  	[tilespmem:s21], [sflag:$0x3] =	stream.linear.gather @!p1 [hbm4b:s17+s22], $0x80, $0x38;
	[tilespmem:$0x1E180] =	vst v63  }
0x49: {  	s17 =	smov.u32 s23;
	_ =	swait.ge @!p1 [sflag:s24], $0x80  }
0x4a: {  	[sflag:s24] =	ssyncset.done @!p1 $0x0  }
0x4b: {  	s20 =	simm.s32 @!p1 $0x1;
	s23 =	simm.s32 @!p1 $0x100;
	[sflag:s24] =	ssyncadd.s32 @!p1 $0xFFFFFF80  }
0x4c: {  	[tilespmem:s23], [sflag:$0x1] =	stream.indirect.gather @!p1 [hbm4b:s1+s21], $0x80, s22, s21, $0xb8;
	[tilespmem:$0x1E180] =	vst v63  }
.Ltmp1:
0x4d: {  	_ =	swait.ge @!p1 [sflag:s20], $0x4000;
	(pc) =	sbr.rel @p2 .LBB2_4-.Ltmp1, $4  }
0x4e: {  	[sflag:s20] =	ssyncset.done @!p1 $0x0  }
0x4f: {  	s18 =	sadd.s32 $0x20, s18;
	[sflag:s20] =	ssyncadd.s32 @!p1 $0xFFFFC000;
	s20 =	simm.s32 @!p1 $0x2  }
0x50: {  	[spmem:s2] =	stream.indirect.scatter.add.f32 @!p1 [tilespmem:s23], [sflag:$0x2], $0x80, s21, s21, $0xb8;
	[tilespmem:$0x1E180] =	vst v63  }
0x51: {  	p3 =	sgt.u32 s18, $0x9C3;
	_ =	swait.ge @!p1 [sflag:s20], $0x4000  }
0x52: {  	s18 =	sadd.s32 @!p3 s17, s12;
	[sflag:s20] =	ssyncset.done @!p1 $0x0  }
0x53: {  	s19 =	simm.s32 @!p3 $0x0;
	s21 =	simm.s32 @!p3 $0x3;
	[sflag:s20] =	ssyncadd.s32 @!p1 $0xFFFFC000  }
0x54: {  	[tilespmem:s19], [sflag:$0x3] =	stream.linear.gather @!p3 [hbm4b:s18+s19], $0x80, $0x38;
	[tilespmem:$0x1E180] =	vst v63  }
0x55: {  	p1 =	por p3, p3;
	_ =	swait.ge @!p3 [sflag:s21], $0x80  }
0x56: {  	[sflag:s21] =	ssyncset.done @!p1 $0x0  }
0x57: {  	s17 =	sadd.s32 @!p1 s17, s11;
	s18 =	simm.s32 @!p1 $0x80;
	[sflag:s21] =	ssyncadd.s32 @!p1 $0xFFFFFF80  }
0x58: {  	[tilespmem:s18], [sflag:$0x3] =	stream.linear.gather @!p1 [hbm4b:s17+s19], $0x80, $0x38;
	[tilespmem:$0x1E180] =	vst v63  }
0x59: {  	_ =	swait.ge @!p1 [sflag:s21], $0x80  }
0x5a: {  	[sflag:s21] =	ssyncset.done @!p1 $0x0  }
0x5b: {  	s20 =	simm.s32 @!p1 $0x1;
	s17 =	simm.s32 @!p1 $0x100;
	[sflag:s21] =	ssyncadd.s32 @!p1 $0xFFFFFF80  }
0x5c: {  	[tilespmem:s17], [sflag:$0x1] =	stream.indirect.gather @!p1 [hbm4b:s1+s18], $0x80, s19, s18, $0xb8;
	[tilespmem:$0x1E180] =	vst v63  }
0x5d: {  	_ =	swait.ge @!p1 [sflag:s20], $0x4000  }
0x5e: {  	[sflag:s20] =	ssyncset.done @!p1 $0x0  }
0x5f: {  	s19 =	simm.s32 @!p1 $0x2;
	[sflag:s20] =	ssyncadd.s32 @!p1 $0xFFFFC000  }
0x60: {  	[spmem:s2] =	stream.indirect.scatter.add.f32 @!p1 [tilespmem:s17], [sflag:$0x2], $0x80, s18, s18, $0xb8;
	[tilespmem:$0x1E180] =	vst v63  }
0x61: {  	_ =	swait.ge @!p1 [sflag:s19], $0x4000  }
0x62: {  	[sflag:s19] =	ssyncset.done @!p1 $0x0  }
0x63: {  	s30 =	sshll.u32 s4, $0x6;
	[sflag:s19] =	ssyncadd.s32 @!p1 $0xFFFFC000  }
0x64: {  	s31 =	sshrl.u32 s7, $0x3;
	s17 =	sor.u32 $0x1C02, s30;
	[bflag:$0x0] =	sbarrier.arrive $0xFFFF  }
0x65: {  	[hbm:s16], [sflag:s17] =	dma.local [spmem:s31], $0x2700  }
0x66: {  	_ =	swait.ge [sflag:s15], $0x2700  }
0x67: {  	s3 =	sadd.s32 $0x1, s3;
	s18 =	sadd.s32 @!p0 $0x27000, s6;
	[sflag:s15] =	ssyncset.done $0x0  }
0x68: {  	s19 =	sshrl.u32 @!p0 s5, $0x3;
	p1 =	sne.s32 s3, s8;
	[sflag:s15] =	ssyncadd.s32 $0xFFFFD900  }
0x69: {  	[hbm:s18], [sflag:s17] =	dma.local @!p0 [spmem:s19], $0x100  }
.Ltmp2:
0x6a: {  	_ = 	snop;
	(pc) =	sbr.rel @p1 .LBB2_1-.Ltmp2, $4  }
0x6b: {  	s17 =	simm.s32 @!p0 $0x2  }
0x6c: {  	_ =	swait.ge @!p0 [sflag:s17], $0x100  }
0x6d: {  	[sflag:s17] =	ssyncset.done @!p0 $0x0  }
0x6e: {  	[sflag:s17] =	ssyncadd.s32 @!p0 $0xFFFFFF00  }
0x6f: {  	_ =	sfence.sel $0x180000  }
0x70: {  	[bflag:$0x0] =	sbarrier.arrive $0xFFFF  }
0x71: {  	p0 =	sne.s32 s4, $0x0;
	_ =	strace $0x9000004A  }
0x72: {  	s0 =	sadd.s32 @!p0 $0x100000, s0;
	[bflag:$0x2] =	sbarrier.arrive $0xFFFF  }
0x73: {  	[sflag:s0] =	ssyncadd.tile.s32 @!p0 $0x1;
	_ =	shalt  }
.Lfunc_end2:
_tile_overlayer_lowered:
.L_overlay_start_2:
0x74: {  	(tag) =	ssettag $0x2  }
0x75: {  	s0 =	rddreg [dreg:$0x0];
	s2 =	stileid.u32  }
0x76: {  	s1 =	rddreg [dreg:$0x1];
	p0 =	sne.s32 s2, $0x0  }
0x77: {  	s3 =	rddreg [dreg:$0x2];
	[bflag:$0x3] =	sbarrier.arrive $0xFFFF;
	s2 =	simm.s32 @!p0 $0x1C02  }
0x78: {  	[timem:s3], [sflag:s2] =	dma.local @!p0 [hbm:s0], s1  }
0x79: {  	s0 =	simm.s32 @!p0 $0x2  }
0x7a: {  	_ =	swait.ge @!p0 [sflag:s0], s1  }
0x7b: {  	s1 =	ssub.s32 @!p0 $0x0, s1;
	[sflag:s0] =	ssyncset.done @!p0 $0x0  }
0x7c: {  	[sflag:s0] =	ssyncadd.s32 @!p0 s1  }
0x7d: {  	[bflag:$0x3] =	sbarrier.arrive $0xFFFF  }
0x7e: {  	_ =	shalt  }

// kernel: kernel.7.cloned.1.call-start
scs
__scs_entry_jumppad:
0x0: {  	(pc) =	sbr.rel $0x88, $3  }
0x1: {  	(tag) =	ssettag $0x0;
	lr =	simm.s32 $0x1  }
0x2: {  	[smem:$0x3F9D] =	sst lr;
	_ =	strace $0xD0000000  }
0x3: {  	_ = 	snop  }
0x4: {  	_ = 	snop  }
0x5: {  	_ = 	snop  }
0x6: {  	_ = 	snop  }
0x7: {  	_ = 	snop  }
__scs_overlays_trampoline_lowered:
0x8: {  	[smem:$0x3FAC] =	sst s0  }
0x9: {  	[smem:$0x3FAD] =	sst s1  }
0xa: {  	[smem:$0x3FAE] =	sst s2  }
0xb: {  	[smem:$0x3FAF] =	sst s3  }
0xc: {  	[smem:$0x3FB0] =	sst s4  }
0xd: {  	[smem:$0x3FB1] =	sst s5  }
0xe: {  	[smem:$0x3FB2] =	sst s6  }
0xf: {  	[smem:$0x3FB3] =	sst s7  }
0x10: {  	[smem:$0x3FB4] =	sst s8  }
0x11: {  	[smem:$0x3FB5] =	sst s9;
	s0 =	simm.s32 @!p0 $0x0  }
0x12: {  	s1 =	sld [smem:$0x3F9B];
	s0 =	simm.s32 @p0 $0x1  }
0x13: {  	[smem:$0x3FB6] =	sst s0;
	s0 =	simm.s32 @!p1 $0x0  }
0x14: {  	s2 =	sld [smem:$0x3F9A];
	s0 =	simm.s32 @p1 $0x1  }
0x15: {  	[smem:$0x3FB7] =	sst s0;
	s0 =	simm.s32 @!p2 $0x0  }
0x16: {  	s3 =	sld [smem:$0x3FDB];
	s0 =	simm.s32 @p2 $0x1  }
0x17: {  	s4 =	simm.s32 $0x1BF5;
	[smem:$0x3FB9] =	sst s0  }
0x18: {  	s0 =	sld [smem:$0x3F9C];
	_ =	swait.ge [sflag:s4], $0x0  }
0x19: {  	s7 =	sld [smem:$0x3F9D]  }
0x1a: {  	s8 =	sadd.s32 $0xFFFFE003, lr  }
0x1b: {  	s9 =	sadd.s32 $0xFFFFFEF7, lr;
	s5 =	simm.s32 $0xFFFFFFFF;
	p2 =	slt.u32 s8, $0xFFFFF086  }
0x1c: {  	p1 =	slt.u32 s9, $0xF7A;
	s5 =	simm.s32 @!p2 $0x0  }
0x1d: {  	s5 =	simm.s32 @p1 $0x1;
	p0 =	seq.s32 s7, s2  }
0x1e: {  	s7 =	smul.u32 @!p0 $0xF7A, s2;
	p2 =	seq.s32 @!p0 s5, $0x0  }
0x1f: {  	s9 =	smul.u32 $0xF7A, s1;
	s8 =	simm.s32 @!p0 $0x1BF5;
	p2 =	por !p2, p0  }
0x20: {  	[sflag:s8] =	ssyncset.s32 @!p0 $0xFFFFF086;
	s6 =	sadd.s32 @!p0 s3, s7;
	s7 =	simm.s32 @!p0 $0x108  }
0x21: {  	s3 =	sadd.s32 s3, s9;
	s6 =	sadd.s32 @!p0 $0x88, s6;
	s7 =	simm.s32 @p2 $0x1082  }
0x22: {  	[simem:s7], [sflag:s8] =	dma.local @!p0 [hbm:s6], $0xF7A  }
0x23: {  	s9 =	sor.u32 $0xD0000000, s2;
	s6 =	simm.s32 $0x108;
	_ =	swait.ge @!p0 [sflag:s8], $0x0  }
0x24: {  	s3 =	sadd.s32 $0x88, s3;
	s6 =	simm.s32 @!p1 $0x1082;
	[sflag:s4] =	ssyncset.s32 $0xFFFFF086  }
0x25: {  	[simem:s6], [sflag:s4] =	dma.local [hbm:s3], $0xF7A  }
0x26: {  	[smem:$0x3F9D] =	sst s1;
	(tag) =	ssettag s2;
	_ =	strace s9  }
0x27: {  	s1 =	sld [smem:$0x3FAD]  }
0x28: {  	s2 =	sld [smem:$0x3FAE]  }
0x29: {  	s4 =	sld [smem:$0x3FB0]  }
0x2a: {  	p0 =	seq.s32 s5, $0x0;
	s5 =	sld [smem:$0x3FB1]  }
0x2b: {  	s6 =	sld [smem:$0x3FB2]  }
0x2c: {  	s7 =	sld [smem:$0x3FB3]  }
0x2d: {  	s3 =	simm.s32 $0x108;
	s8 =	sld [smem:$0x3FB4]  }
0x2e: {  	s3 =	simm.s32 @!p0 $0x1082;
	s9 =	sld [smem:$0x3FB5]  }
0x2f: {  	lr =	sadd.s32 s0, s3;
	s0 =	sld [smem:$0x3FAC]  }
0x30: {  	s3 =	sld [smem:$0x3FAF]  }
0x31: {  	[smem:$0x3FB8] =	sst s10  }
0x32: {  	s10 =	sld [smem:$0x3FB6];
	_ =	sdelay $0x3  }
0x33: {  	p0 =	seq.s32 s10, $0x1;
	s10 =	sld [smem:$0x3FB8];
	_ =	sdelay $0x3  }
0x34: {  	[smem:$0x3FB8] =	sst s10  }
0x35: {  	s10 =	sld [smem:$0x3FB7];
	_ =	sdelay $0x3  }
0x36: {  	p1 =	seq.s32 s10, $0x1;
	s10 =	sld [smem:$0x3FB8];
	_ =	sdelay $0x3  }
0x37: {  	[smem:$0x3FB8] =	sst s10  }
0x38: {  	s10 =	sld [smem:$0x3FB9]  }
0x39: {  	_ = 	snop;
	(pc) =	sbr.ind lr, $3  }
0x3a: {  	_ = 	snop  }
0x3b: {  	_ = 	snop  }
0x3c: {  	p2 =	seq.s32 s10, $0x1;
	s10 =	sld [smem:$0x3FB8]  }
0x3d: {  	_ =	shalt  }
0x3e: {  	_ =	shalt  }
0x3f: {  	_ =	shalt  }
0x40: {  	_ =	shalt  }
0x41: {  	_ =	shalt  }
0x42: {  	_ =	shalt  }
0x43: {  	_ =	shalt  }
0x44: {  	_ =	shalt  }
0x45: {  	_ =	shalt  }
0x46: {  	_ =	shalt  }
0x47: {  	_ =	shalt  }
0x48: {  	_ =	shalt  }
0x49: {  	_ =	shalt  }
0x4a: {  	_ =	shalt  }
0x4b: {  	_ =	shalt  }
0x4c: {  	_ =	shalt  }
0x4d: {  	_ =	shalt  }
0x4e: {  	_ =	shalt  }
0x4f: {  	_ =	shalt  }
0x50: {  	_ =	shalt  }
0x51: {  	_ =	shalt  }
0x52: {  	_ =	shalt  }
0x53: {  	_ =	shalt  }
0x54: {  	_ =	shalt  }
0x55: {  	_ =	shalt  }
0x56: {  	_ =	shalt  }
0x57: {  	_ =	shalt  }
0x58: {  	_ =	shalt  }
0x59: {  	_ =	shalt  }
0x5a: {  	_ =	shalt  }
0x5b: {  	_ =	shalt  }
0x5c: {  	_ =	shalt  }
0x5d: {  	_ =	shalt  }
0x5e: {  	_ =	shalt  }
0x5f: {  	_ =	shalt  }
0x60: {  	_ =	shalt  }
0x61: {  	_ =	shalt  }
0x62: {  	_ =	shalt  }
0x63: {  	_ =	shalt  }
0x64: {  	_ =	shalt  }
0x65: {  	_ =	shalt  }
0x66: {  	_ =	shalt  }
0x67: {  	_ =	shalt  }
0x68: {  	_ =	shalt  }
0x69: {  	_ =	shalt  }
0x6a: {  	_ =	shalt  }
0x6b: {  	_ =	shalt  }
0x6c: {  	_ =	shalt  }
0x6d: {  	_ =	shalt  }
0x6e: {  	_ =	shalt  }
0x6f: {  	_ =	shalt  }
0x70: {  	_ =	shalt  }
0x71: {  	_ =	shalt  }
0x72: {  	_ =	shalt  }
0x73: {  	_ =	shalt  }
0x74: {  	_ =	shalt  }
0x75: {  	_ =	shalt  }
0x76: {  	_ =	shalt  }
0x77: {  	_ =	shalt  }
0x78: {  	_ =	shalt  }
0x79: {  	_ =	shalt  }
0x7a: {  	_ =	shalt  }
0x7b: {  	_ =	shalt  }
0x7c: {  	_ =	shalt  }
0x7d: {  	_ =	shalt  }
0x7e: {  	_ =	shalt  }
0x7f: {  	_ =	shalt  }
0x80: {  	_ =	shalt  }
0x81: {  	_ =	shalt  }
0x82: {  	_ =	shalt  }
0x83: {  	_ =	shalt  }
0x84: {  	_ =	shalt  }
0x85: {  	_ =	shalt  }
0x86: {  	_ =	shalt  }
0x87: {  	_ =	shalt  }
.Lfunc_end0:
.L_simem_size_0:
called_computation_lowered:
.L_overlay_start_0:
0x88: {  	s2 =	sld [smem:$0x3FD9]  }
0x89: {  	s3 =	sld [smem:$0x3FFE];
	_ =	sdelay $0x1  }
0x8a: {  	s1 =	srdreg.scid  }
0x8b: {  	s0 =	sand.u32 $0x1, s1  }
0x8c: {  	s17 =	sshll.u32 s0, $0xA;
	s2 =	sadd.s32 s3, s2  }
0x8d: {  	s2 =	sadd.s32 s2, s17  }
0x8e: {  	[smem:$0x3FC4] =	sst s2  }
0x8f: {  	_ = 	snop  }
0x90: {  	s2 =	sld [smem:$0x3FD0];
	(tm) =	ssettm $0x1  }
0x91: {  	s18 =	sld [smem:$0x3FFB];
	_ =	sdelay $0x3  }
0x92: {  	_ =	strace s18  }
0x93: {  	s3 =	sld [smem:$0x3FFC];
	_ =	sdelay $0x3  }
0x94: {  	_ =	strace s3  }
0x95: {  	s3 =	sld [smem:$0x3FFD];
	_ =	sdelay $0x3  }
0x96: {  	_ =	strace s3  }
0x97: {  	_ =	strace $0x8FFFFFFF  }
0x98: {  	s19 =	sld [smem:$0x3FDB];
	_ =	sdelay $0x1  }
0x99: {  	s4 =	simm.s32 $_scs_section_size  }
0x9a: {  	s5 =	simm.s32 $_size__tile_overlayer_lowered;
	s6 =	simm.s32 $_tile_overlayer_lowered  }
0x9b: {  	s22 =	simm.s32 $0x1BFF;
	s21 =	sshll.u32 s6, $0x1;
	s3 =	sadd.s32 s4, s19  }
0x9c: {  	s7 =	simm.s32 $0x0;
	s20 =	sshll.u32 s5, $0x1;
	s5 =	sadd.s32 s21, s3  }
0x9d: {  	[timem:s7], [sflag:s22] =	dma.local [hbm:s5], s20  }
0x9e: {  	_ =	swait.ge [sflag:s22], s20  }
0x9f: {  	s4 =	ssub.s32 $0x0, s20;
	[sflag:s22] =	ssyncset.done $0x0  }
0xa0: {  	[sflag:s22] =	ssyncadd.s32 s4;
	_ =	sdelay $0x1  }
0xa1: {  	s23 =	simm.s32 $0x1B8B  }
0xa2: {  	_ =	swait.ge [sflag:s23], $0x1  }
0xa3: {  	[sflag:s23] =	ssyncset.done $0x0  }
0xa4: {  	s25 =	simm.s32 $0x1B8E;
	s24 =	sld [smem:$0x3FFE];
	[sflag:s23] =	ssyncadd.s32 $0xFFFFFFFF  }
0xa5: {  	s26 =	simm.s32 $execute0_lowered;
	[smem:$0x3FD2] =	sst s25  }
0xa6: {  	s5 =	sshll.u32 s26, $0x1;
	_ =	strace $0x80000046;
	[dreg:$0x1] =	wrdreg $0xFFFFFFFF  }
0xa7: {  	s28 =	simm.s32 $_size_execute0_lowered;
	s3 =	sadd.s32 s3, s5;
	[dreg:$0x0] =	wrdreg $0x0  }
0xa8: {  	s5 =	sshll.u32 s28, $0x1;
	[dreg:$0x2] =	wrdreg s3  }
0xa9: {  	[dreg:$0x3] =	wrdreg s5  }
0xaa: {  	[dreg:$0x4] =	wrdreg $0xC0  }
0xab: {  	_ =	task [dreg:s7], $0x5FFFF  }
0xac: {  	[dreg:$0x1] =	wrdreg $0xFFFFFFFF  }
0xad: {  	[dreg:$0x0] =	wrdreg $0x60  }
0xae: {  	[dreg:$0x2] =	wrdreg s24  }
0xaf: {  	[dreg:$0x3] =	wrdreg s2  }
0xb0: {  	[dreg:$0x4] =	wrdreg $0x9  }
0xb1: {  	_ =	task.clear_ibuf [dreg:s7], $0x5FFFF;
	_ =	strace $0x90000046  }
0xb2: {  	s29 =	simm.s32 $0x9;
	_ =	strace $0x80000048  }
0xb3: {  	_ =	swait.ge [sflag:s29], $0x1  }
0xb4: {  	[sflag:s29] =	ssyncadd.s32 $0xFFFFFFFF  }
0xb5: {  	_ =	strace $0x90000048  }
0xb6: {  	_ =	sfence  }
0xb7: {  	s30 =	sld [smem:$0x0];
	_ =	sdelay $0x2  }
0xb8: {  	s31 =	sshll.u32 s1, $0xD;
	s1 =	sshrl.u32 s1, $0x2  }
0xb9: {  	s3 =	sand.u32 $0x4000, s31;
	s1 =	sadd.s32 s1, s30  }
0xba: {  	s0 =	sor.u32 s3, s0;
	s1 =	sshll.u32 s1, $0x11  }
0xbb: {  	s0 =	sor.u32 s1, s0  }
0xbc: {  	s0 =	sadd.s32 $0x8F2B, s0  }
0xbd: {  	[sflag:s0] =	ssyncadd.remote.s32 $0x1  }
0xbe: {  	_ =	sfence.sel $0xFFFF  }
0xbf: {  	[dreg:$0x0] =	wrdreg $0xFFFFFFFF;
	(pc) =	sbr.abs _section_cstart, $3  }
0xc0: {  	[dreg:$0x1] =	wrdreg $0xFFFFFFFF  }
0xc1: {  	_ =	task.clear_ibuf [dreg:s7], $0x2FFFF;
	_ =	strace $0x9FFFFFFF  }
0xc2: {  	(tm) =	ssettm $0x7FFFFFFF  }
0xc3: {  	_ =	shalt  }
tec
execute0_lowered:
.L_overlay_start_1:
0x0: {  	(tag) =	ssettag $0x1  }
0x1: {  	s0 =	srdreg.scid  }
0x2: {  	s3 =	rddreg [dreg:$0x0];
	s4 =	sand.u32 $0x1, s0  }
0x3: {  	s5 =	rddreg [dreg:$0x1];
	s1 =	stileid.u32;
	s2 =	sshll.u32 s4, $0x4  }
0x4: {  	s0 =	rddreg [dreg:$0x2];
	s6 =	sor.u32 s1, s2  }
0x5: {  	s4 =	ssub.s32 $0x2, s4;
	s2 =	simm.s32 $0x0;
	s7 =	smul.u32 $0x4E2, s6  }
0x6: {  	s8 =	sshrl.u32 s4, $0x1;
	[smem:$0x7FF] =	sst s2;
	s6 =	smul.u32 $0x4F0, s6  }
0x7: {  	s31 =	ssub.s32 s4, s8;
	s8 =	simm.s32 $0x0;
	_ =	strace $0x80000047  }
0x8: {  	s3 =	sadd.s32 s7, s3;
	s4 =	sadd.s32 s5, s6;
	s5 =	smax.u32 s31, $0x1  }
0x9: {  	v0 =	vimm.f32 $0.0e+00;
	v1 =	vimm.f32 $1.000000000e+00;
	s6 =	simm.s32 $0x1;
	s7 =	simm.s32 $0x2780;
	s3 =	sadd.s32 $0x1800, s3  }
.LBB2_1:
0xa: {  	[tilespmem:s2], [sflag:$0x1] =	stream.linear.gather [hbm4b:s3+s2], $0x2710, $0x38;
	[tilespmem:$0x4F00] =	vst v63  }
0xb: {  	_ =	swait.ge [sflag:s6], $0x2710  }
0xc: {  	[sflag:s6] =	ssyncset.done $0x0  }
0xd: {  	s9 =	simm.s32 $0x0;
	[sflag:s6] =	ssyncadd.s32 $0xFFFFD8F0  }
.LBB2_2:
0xe: {  	p0 =	sne.s32 s9, $0x9C00  }
.Ltmp0:
0xf: {  	_ = 	snop;
	(pc) =	sbr.rel @p0 .LBB2_2-.Ltmp0, $3  }
0x10: {  	_ =	sdelay $0x1  }
0x11: {  	s10 =	sshra.s32 s9, $0x2  }
0x12: {  	s9 =	sadd.s32 $0x40, s9;
	[tilespmem:s10+$0x2780] =	vst v0  }
0x13: {  	s10 =	simm.s32 $0x0;
	s9 =	simm.s32 $0x40  }
.LBB2_4:
0x14: {  	p0 =	sne.s32 s9, $0x9C00;
	v2 =	vld [tilespmem:s10+$0x0];
	_ =	sdelay $0x3  }
.Ltmp1:
0x15: {  	(pc) =	sbr.rel @p0 .LBB2_4-.Ltmp1, $2  }
0x16: {  	_ =	sdelay $0x2  }
0x17: {  	s10 =	sshra.s32 s9, $0x2;
	s9 =	sadd.s32 $0x40, s9;
	[tilespmem:v2+s7+$0x0] =	vst.idx.add.f32.msk $0xffff, v1  }
0x18: {  	v2 =	vld [tilespmem:s10+$0x0];
	_ =	sdelay $0x5  }
0x19: {  	s8 =	sadd.s32 $0x1, s8  }
0x1a: {  	p0 =	sne.s32 s8, s5  }
.Ltmp2:
0x1b: {  	[tilespmem:v2+s7+$0x0] =	vst.idx.add.f32.msk $0xffff, v1;
	(pc) =	sbr.rel @p0 .LBB2_1-.Ltmp2, $4  }
0x1c: {  	[hbm4b:s4+s2] =	stream.linear.scatter [tilespmem:s7], [sflag:$0x1], $0x2780, $0x38;
	[tilespmem:$0x4F00] =	vst v63  }
0x1d: {  	_ =	swait.ge [sflag:s6], $0x2780  }
0x1e: {  	[sflag:s6] =	ssyncset.done $0x0  }
0x1f: {  	[sflag:s6] =	ssyncadd.s32 $0xFFFFD880  }
0x20: {  	_ =	sfence.sel $0x180000  }
0x21: {  	[bflag:$0x0] =	sbarrier.arrive $0xFFFF  }
0x22: {  	p0 =	sne.s32 s1, $0x0;
	_ =	strace $0x90000047  }
0x23: {  	s0 =	sadd.s32 @!p0 $0x100000, s0;
	[bflag:$0x2] =	sbarrier.arrive $0xFFFF  }
0x24: {  	[sflag:s0] =	ssyncadd.tile.s32 @!p0 $0x1;
	_ =	shalt  }
.Lfunc_end2:
_tile_overlayer_lowered:
.L_overlay_start_2:
0x25: {  	(tag) =	ssettag $0x2  }
0x26: {  	s0 =	rddreg [dreg:$0x0];
	s2 =	stileid.u32  }
0x27: {  	s1 =	rddreg [dreg:$0x1];
	p0 =	sne.s32 s2, $0x0  }
0x28: {  	s3 =	rddreg [dreg:$0x2];
	[bflag:$0x3] =	sbarrier.arrive $0xFFFF;
	s2 =	simm.s32 @!p0 $0x1C01  }
0x29: {  	[timem:s3], [sflag:s2] =	dma.local @!p0 [hbm:s0], s1  }
0x2a: {  	s0 =	simm.s32 @!p0 $0x1  }
0x2b: {  	_ =	swait.ge @!p0 [sflag:s0], s1  }
0x2c: {  	s1 =	ssub.s32 @!p0 $0x0, s1;
	[sflag:s0] =	ssyncset.done @!p0 $0x0  }
0x2d: {  	[sflag:s0] =	ssyncadd.s32 @!p0 s1  }
0x2e: {  	[bflag:$0x3] =	sbarrier.arrive $0xFFFF  }
0x2f: {  	_ =	shalt  }

</sc_bundles>
